<compile_context>
chip_gen: v7x
topology: tpu7x:2x2x1
jax: 0.10.2.dev20260603
libtpu: 0.0.44.dev20260713+nightly
codegen_flags: <defaults>
</compile_context>

<pallas_src>
import functools

import jax
import jax.numpy as jnp
from jax import lax
from jax.experimental import pallas as pl
from jax.experimental.pallas import tpu as pltpu
from jax.experimental.pallas import tpu_sc as plsc

NC = 2
NS = 16
NW = NC * NS
ROW_CHUNK = 512


def _make_sc_gather(n_ids: int, d: int):
    per_w = n_ids // NW
    n_chunks = per_w // ROW_CHUNK
    mesh = plsc.VectorSubcoreMesh(core_axis_name="c", subcore_axis_name="s")

    b = n_ids // 8
    n_sub = 6
    w_per_k = b // per_w

    @functools.partial(
        pl.kernel,
        mesh=mesh,
        compiler_params=pltpu.CompilerParams(needs_layout_passes=False),
        out_type=jax.ShapeDtypeStruct((n_ids, d), jnp.float32),
        scratch_types=[
            pltpu.VMEM((n_ids,), jnp.int32),
            pltpu.VMEM((per_w,), jnp.int32),
            pltpu.VMEM((ROW_CHUNK, d), jnp.float32),
            pltpu.SemaphoreType.DMA,
        ],
    )
    def gather_kernel(table_hbm, cat_hbm, out_hbm, cat_v, ids_v, rows_v, sem):
        wid = lax.axis_index("s") * NC + lax.axis_index("c")
        base = wid * per_w
        pltpu.sync_copy(cat_hbm, cat_v)
        k = wid // w_per_k
        j0 = (wid - k * w_per_k) * per_w
        is_ui = k < 2

        def addr_body(g, carry):
            iv = lax.iota(jnp.int32, 16) + (j0 + g * 16)
            a_low = k * b + iv
            a_high = 2 * b + n_sub * iv + (k - 2)
            addr = jnp.where(is_ui, a_low, a_high)
            ids_v[pl.ds(g * 16, 16)] = plsc.load_gather(cat_v, [addr])
            return carry

        lax.fori_loop(0, per_w // 16, addr_body, 0)

        def chunk_body(c, carry):

            def grp_body(g, carry2):
                v = ids_v[pl.ds(c * ROW_CHUNK + g * 16, 16)]
                for j in range(16):
                    pltpu.async_copy(
                        table_hbm.at[pl.ds(v[j], 1)],
                        rows_v.at[pl.ds(g * 16 + j, 1)],
                        sem,
                    )
                return carry2

            lax.fori_loop(0, ROW_CHUNK // 16, grp_body, 0)
            pltpu.make_async_copy(
                table_hbm.at[pl.ds(0, ROW_CHUNK)],
                rows_v,
                sem,
            ).wait()
            pltpu.sync_copy(
                rows_v, out_hbm.at[pl.ds(base + c * ROW_CHUNK, ROW_CHUNK)]
            )
            return carry

        lax.fori_loop(0, n_chunks, chunk_body, 0)

    return gather_kernel


def _mlp_body(r_ref, w1_ref, b1_ref, w2_ref, b2_ref, out_ref):
    nk = r_ref.shape[0]
    d = w1_ref.shape[1]
    acc = jnp.dot(r_ref[0, :, :d], w1_ref[0],
                  preferred_element_type=jnp.float32)
    for k in range(1, nk):
        acc += jnp.dot(r_ref[k, :, :d], w1_ref[k],
                       preferred_element_type=jnp.float32)
    h = jnp.maximum(acc + b1_ref[...], 0.0)
    out_ref[...] = (
        jnp.sum(h * w2_ref[...], axis=1, keepdims=True) + b2_ref[...]
    )


def kernel(user_id, item_id, sub_node_id_list, value, table, W1, b1, W2, b2):
    del value
    b = user_id.shape[0]
    d = table.shape[1]
    n_sub = sub_node_id_list.shape[0]
    nk = n_sub + 2
    n_ids = nk * b

    cat = jnp.concatenate(
        [user_id.astype(jnp.int32), item_id.astype(jnp.int32),
         sub_node_id_list.astype(jnp.int32).reshape(-1)]
    )

    r = _make_sc_gather(n_ids, d)(table, cat)
    r3 = r.reshape(nk, b, d)

    blk = 512
    grid = (b // blk,)
    out = pl.pallas_call(
        _mlp_body,
        grid=grid,
        in_specs=[
            pl.BlockSpec((nk, blk, d), lambda i: (0, i, 0)),
            pl.BlockSpec((nk, d, d), lambda i: (0, 0, 0)),
            pl.BlockSpec((1, d), lambda i: (0, 0)),
            pl.BlockSpec((1, d), lambda i: (0, 0)),
            pl.BlockSpec((1, 1), lambda i: (0, 0)),
        ],
        out_specs=pl.BlockSpec((blk, 1), lambda i: (i, 0)),
        out_shape=jax.ShapeDtypeStruct((b, 1), jnp.float32),
    )(r3, W1.reshape(nk, d, d), b1.reshape(1, d), W2.reshape(1, d),
      b2.reshape(1, 1))
    return out

# --- scband reference (transcript-rebuilt; emitter-appended) ---
"""Pipeline reference for scband-dg3-pr-24996709663314 (READ-ONLY COPY).

The authoritative reference and input builder live on the scoring server;
editing this copy changes nothing except your own understanding.
"""

import jax, jax.numpy as jnp
import numpy as np

NUM_NODES = 1000000
D = 64
B = 4096
N_SUB = 6  # output_layer_node_num = 8 = 2 (user+item) + 6 sub nodes


def setup_inputs(seed: int = 0) -> dict:
    key = jax.random.key(seed)
    ks = jax.random.split(key, 9)
    user_id = jax.random.randint(ks[0], (B,), 0, NUM_NODES)
    item_id = jax.random.randint(ks[1], (B,), 0, NUM_NODES)
    sub_node_id_list = jax.random.randint(ks[2], (N_SUB, B), 0, NUM_NODES)
    value = jax.random.normal(ks[3], (B,), dtype=jnp.float32)
    # learned params: node embedding table + output MLP (Linear(8*D->D), ReLU, Linear(D->1))
    table = jax.random.normal(ks[4], (NUM_NODES, D), dtype=jnp.float32) * 0.02
    W1 = jax.random.normal(ks[5], (8 * D, D), dtype=jnp.float32) * 0.02
    b1 = jnp.zeros((D,), dtype=jnp.float32)
    W2 = jax.random.normal(ks[6], (D, 1), dtype=jnp.float32) * 0.02
    b2 = jnp.zeros((1,), dtype=jnp.float32)
    return {"user_id": user_id, "item_id": item_id, "sub_node_id_list": sub_node_id_list,
            "value": value, "table": table, "W1": W1, "b1": b1, "W2": W2, "b2": b2}


def reference(user_id, item_id, sub_node_id_list, value, table, W1, b1, W2, b2):
    # embedding lookups
    user_emb = jnp.take(table, user_id, axis=0)            # [B, D]
    item_emb = jnp.take(table, item_id, axis=0)            # [B, D]
    user_item = jnp.concatenate([user_emb, item_emb], axis=1)  # [B, 2D]
    # list of lookups stacked: [N_SUB, B, D], then torch .view(B, -1)
    sub_emb = jnp.take(table, sub_node_id_list, axis=0)    # [N_SUB, B, D]
    sub_emb = sub_emb.reshape(user_id.shape[0], -1)        # faithful to torch view semantics
    x = jnp.concatenate([user_item, sub_emb], axis=1)      # [B, 8D]
    h = jax.nn.relu(x @ W1 + b1)
    out = h @ W2 + b2                                      # [B, 1]
    return out

if __name__ == "__main__":
    import jax
    _d = setup_inputs()
    print(jax.jit(kernel)(*tuple(_d.values())))

</pallas_src>

<mosaic_0001>
#map = affine_map<(d0, d1) -> (0, 0)>
#map1 = affine_map<(d0, d1) -> (0)>
module attributes {stable_mosaic.version = 14 : i64} {
  func.func @gather_kernel(%arg0: i32, %arg1: i32, %arg2: memref<1000000x64xf32, #tpu.memory_space<hbm>>, %arg3: memref<32768xi32, #tpu.memory_space<hbm>>, %arg4: memref<32768x64xf32, #tpu.memory_space<hbm>>, %arg5: memref<32768xi32, #tpu.memory_space<vmem>>, %arg6: memref<1024xi32, #tpu.memory_space<vmem>>, %arg7: memref<512x64xf32, #tpu.memory_space<vmem>>, %arg8: memref<!tpu.dma_semaphore, #tpu.memory_space<semaphore_mem>>) attributes {dimension_semantics = [#tpu.dimension_semantics<core_parallel>, #tpu.dimension_semantics<subcore_parallel>], iteration_bounds = array<i64: 2, 16>, scalar_prefetch = 0 : i64, scratch_operands = 4 : i64, tpu.core_type = #tpu.core_type<sc_vector_subcore>, window_params = [{transform_indices = #map}, {transform_indices = #map1}, {transform_indices = #map}]} {
    %mul3A = arith.constant 2 : i32
    %mul3A_0 = arith.muli %arg1, %mul3A : i32
    %add3A = arith.addi %mul3A_0, %arg0 : i32
    %mul3A_1 = arith.constant 1024 : i32
    %mul3A_2 = arith.muli %add3A, %mul3A_1 : i32
    "tpu.region"() ({
      %run_scoped3A = tpu.sem_alloc : memref<!tpu.dma_semaphore, #tpu.memory_space<semaphore_mem>>
      tpu.enqueue_dma source(%arg3 : memref<32768xi32, #tpu.memory_space<hbm>>) target(%arg5 : memref<32768xi32, #tpu.memory_space<vmem>>) target_semaphore(%run_scoped3A : memref<!tpu.dma_semaphore, #tpu.memory_space<semaphore_mem>>)
      tpu.wait_dma2 semaphore(%run_scoped3A : memref<!tpu.dma_semaphore, #tpu.memory_space<semaphore_mem>>) src(%arg3 : memref<32768xi32, #tpu.memory_space<hbm>>) dst(%arg5 : memref<32768xi32, #tpu.memory_space<vmem>>)
      tpu.yield
    }) : () -> ()
    %jit3A = arith.constant 4 : i32
    %div3A = arith.divsi %add3A, %jit3A : i32
    %sign3A = arith.constant 0 : i32
    %sign3A_3 = arith.cmpi sgt, %add3A, %sign3A : i32
    %sign3A_4 = arith.extui %sign3A_3 : i1 to i32
    %sign3A_5 = arith.constant 0 : i32
    %sign3A_6 = arith.cmpi slt, %add3A, %sign3A_5 : i32
    %sign3A_7 = arith.extui %sign3A_6 : i1 to i32
    %sign3A_8 = arith.subi %sign3A_4, %sign3A_7 : i32
    %sign3A_9 = arith.constant 0 : i32
    %sign3A_10 = arith.cmpi sgt, %jit3A, %sign3A_9 : i32
    %sign3A_11 = arith.extui %sign3A_10 : i1 to i32
    %sign3A_12 = arith.constant 0 : i32
    %sign3A_13 = arith.cmpi slt, %jit3A, %sign3A_12 : i32
    %sign3A_14 = arith.extui %sign3A_13 : i1 to i32
    %sign3A_15 = arith.subi %sign3A_11, %sign3A_14 : i32
    %ne3A = arith.cmpi ne, %sign3A_8, %sign3A_15 : i32
    %rem3A = arith.remsi %add3A, %jit3A : i32
    %ne3A_16 = arith.constant 0 : i32
    %ne3A_17 = arith.cmpi ne, %rem3A, %ne3A_16 : i32
    %and3A = arith.andi %ne3A, %ne3A_17 : i1
    %sub3A = arith.constant 1 : i32
    %sub3A_18 = arith.subi %div3A, %sub3A : i32
    %select_n3A = arith.select %and3A, %sub3A_18, %div3A : i32
    %mul3A_19 = arith.constant 4 : i32
    %mul3A_20 = arith.muli %select_n3A, %mul3A_19 : i32
    %sub3A_21 = arith.subi %add3A, %mul3A_20 : i32
    %mul3A_22 = arith.constant 1024 : i32
    %mul3A_23 = arith.muli %sub3A_21, %mul3A_22 : i32
    %lt3A = arith.constant 2 : i32
    %lt3A_24 = arith.cmpi slt, %select_n3A, %lt3A : i32
    %scan3A = arith.constant 0 : i32
    %scan3A_25 = arith.constant 0 : i32
    %scan3A_26 = arith.constant 64 : i32
    %scan3A_27 = arith.addi %scan3A_25, %scan3A_26 : i32
    %scan3A_28 = arith.constant 1 : i32
    scf.for %scan3A_36 = %scan3A_25 to %scan3A_27 step %scan3A_28  : i32 {
      %iota3A = tpu.iota {dimensions = array<i32: 0>} : vector<16xi32>
      %mul3A_37 = arith.constant 16 : i32
      %mul3A_38 = arith.muli %scan3A_36, %mul3A_37 : i32
      %add3A_39 = arith.addi %mul3A_23, %mul3A_38 : i32
      %add3A_40 = vector.broadcast %add3A_39 : i32 to vector<16xi32>
      %add3A_41 = arith.addi %iota3A, %add3A_40 : vector<16xi32>
      %mul3A_42 = arith.constant 4096 : i32
      %mul3A_43 = arith.muli %select_n3A, %mul3A_42 : i32
      %add3A_44 = vector.broadcast %mul3A_43 : i32 to vector<16xi32>
      %add3A_45 = arith.addi %add3A_44, %add3A_41 : vector<16xi32>
      %mul3A_46 = arith.constant 6 : i32
      %mul3A_47 = vector.broadcast %mul3A_46 : i32 to vector<16xi32>
      %mul3A_48 = arith.muli %mul3A_47, %add3A_41 : vector<16xi32>
      %add3A_49 = arith.constant 8192 : i32
      %add3A_50 = vector.broadcast %add3A_49 : i32 to vector<16xi32>
      %add3A_51 = arith.addi %add3A_50, %mul3A_48 : vector<16xi32>
      %sub3A_52 = arith.constant 2 : i32
      %sub3A_53 = arith.subi %select_n3A, %sub3A_52 : i32
      %add3A_54 = vector.broadcast %sub3A_53 : i32 to vector<16xi32>
      %add3A_55 = arith.addi %add3A_51, %add3A_54 : vector<16xi32>
      %select_n3A_56 = arith.select %lt3A_24, %add3A_45, %add3A_55 : vector<16xi32>
      %gather3A = tpu.vector_load_idx %arg5[%select_n3A_56] : memref<32768xi32, #tpu.memory_space<vmem>>[vector<16xi32>], vector<16xi32>,
      %mul3A_57 = arith.constant 16 : i32
      %mul3A_58 = arith.muli %scan3A_36, %mul3A_57 : i32
      %swap3A = arith.index_cast %mul3A_58 : i32 to index
      %swap3A_59 = tpu.vector_load %arg6[%swap3A] {strides = array<i32>} : memref<1024xi32, #tpu.memory_space<vmem>>, vector<16xi32>,
      tpu.vector_store %arg6[%swap3A], %gather3A {strides = array<i32>} : memref<1024xi32, #tpu.memory_space<vmem>>, vector<16xi32>,
    }
    %scan3A_29 = arith.constant 64 : i32
    %scan3A_30 = arith.constant 0 : i32
    %scan3A_31 = arith.constant 0 : i32
    %scan3A_32 = arith.constant 2 : i32
    %scan3A_33 = arith.addi %scan3A_31, %scan3A_32 : i32
    %scan3A_34 = arith.constant 1 : i32
    scf.for %scan3A_36 = %scan3A_31 to %scan3A_33 step %scan3A_34  : i32 {
      %scan3A_37 = arith.constant 0 : i32
      %scan3A_38 = arith.constant 0 : i32
      %scan3A_39 = arith.constant 32 : i32
      %scan3A_40 = arith.addi %scan3A_38, %scan3A_39 : i32
      %scan3A_41 = arith.constant 1 : i32
      scf.for %scan3A_51 = %scan3A_38 to %scan3A_40 step %scan3A_41  : i32 {
        %mul3A_52 = arith.constant 512 : i32
        %mul3A_53 = arith.muli %scan3A_36, %mul3A_52 : i32
        %mul3A_54 = arith.constant 16 : i32
        %mul3A_55 = arith.muli %scan3A_51, %mul3A_54 : i32
        %add3A_56 = arith.addi %mul3A_53, %mul3A_55 : i32
        %get3A = arith.index_cast %add3A_56 : i32 to index
        %get3A_57 = tpu.vector_load %arg6[%get3A] {strides = array<i32>} : memref<1024xi32, #tpu.memory_space<vmem>>, vector<16xi32>,
        %slice3A = vector.extract_strided_slice %get3A_57 {offsets = [0], sizes = [1], strides = [1]} : vector<16xi32> to vector<1xi32>
        %squeeze3A = vector.extract %slice3A[0] : i32 from vector<1xi32>
        %mul3A_58 = arith.constant 16 : i32
        %mul3A_59 = arith.muli %scan3A_51, %mul3A_58 : i32
        %add3A_60 = arith.constant 0 : i32
        %add3A_61 = arith.addi %mul3A_59, %add3A_60 : i32
        %dma_start3A = arith.constant 0 : i32
        %dma_start3A_62 = tpu.memref_slice %arg7[%add3A_61, %dma_start3A] : memref<512x64xf32, #tpu.memory_space<vmem>> -> memref<1x64xf32, #tpu.memory_space<vmem>>
        %dma_start3A_63 = arith.constant 0 : i32
        %dma_start3A_64 = tpu.memref_slice %arg2[%squeeze3A, %dma_start3A_63] : memref<1000000x64xf32, #tpu.memory_space<hbm>> -> memref<1x64xf32, #tpu.memory_space<hbm>>
        %dma_start3A_65 = arith.constant 0 : i32
        %dma_start3A_66 = tpu.memref_slice %arg7[%add3A_61, %dma_start3A_65] : memref<512x64xf32, #tpu.memory_space<vmem>> -> memref<1x64xf32, #tpu.memory_space<vmem>>
        %dma_start3A_67 = arith.constant 0 : i32
        %dma_start3A_68 = tpu.memref_slice %arg2[%squeeze3A, %dma_start3A_67] : memref<1000000x64xf32, #tpu.memory_space<hbm>> -> memref<1x64xf32, #tpu.memory_space<hbm>>
        tpu.enqueue_dma source(%dma_start3A_68 : memref<1x64xf32, #tpu.memory_space<hbm>>) target(%dma_start3A_66 : memref<1x64xf32, #tpu.memory_space<vmem>>) target_semaphore(%arg8 : memref<!tpu.dma_semaphore, #tpu.memory_space<semaphore_mem>>)
        %slice3A_69 = vector.extract_strided_slice %get3A_57 {offsets = [1], sizes = [1], strides = [1]} : vector<16xi32> to vector<1xi32>
        %squeeze3A_70 = vector.extract %slice3A_69[0] : i32 from vector<1xi32>
        %mul3A_71 = arith.constant 16 : i32
        %mul3A_72 = arith.muli %scan3A_51, %mul3A_71 : i32
        %add3A_73 = arith.constant 1 : i32
        %add3A_74 = arith.addi %mul3A_72, %add3A_73 : i32
        %dma_start3A_75 = arith.constant 0 : i32
        %dma_start3A_76 = tpu.memref_slice %arg7[%add3A_74, %dma_start3A_75] : memref<512x64xf32, #tpu.memory_space<vmem>> -> memref<1x64xf32, #tpu.memory_space<vmem>>
        %dma_start3A_77 = arith.constant 0 : i32
        %dma_start3A_78 = tpu.memref_slice %arg2[%squeeze3A_70, %dma_start3A_77] : memref<1000000x64xf32, #tpu.memory_space<hbm>> -> memref<1x64xf32, #tpu.memory_space<hbm>>
        %dma_start3A_79 = arith.constant 0 : i32
        %dma_start3A_80 = tpu.memref_slice %arg7[%add3A_74, %dma_start3A_79] : memref<512x64xf32, #tpu.memory_space<vmem>> -> memref<1x64xf32, #tpu.memory_space<vmem>>
        %dma_start3A_81 = arith.constant 0 : i32
        %dma_start3A_82 = tpu.memref_slice %arg2[%squeeze3A_70, %dma_start3A_81] : memref<1000000x64xf32, #tpu.memory_space<hbm>> -> memref<1x64xf32, #tpu.memory_space<hbm>>
        tpu.enqueue_dma source(%dma_start3A_82 : memref<1x64xf32, #tpu.memory_space<hbm>>) target(%dma_start3A_80 : memref<1x64xf32, #tpu.memory_space<vmem>>) target_semaphore(%arg8 : memref<!tpu.dma_semaphore, #tpu.memory_space<semaphore_mem>>)
        %slice3A_83 = vector.extract_strided_slice %get3A_57 {offsets = [2], sizes = [1], strides = [1]} : vector<16xi32> to vector<1xi32>
        %squeeze3A_84 = vector.extract %slice3A_83[0] : i32 from vector<1xi32>
        %mul3A_85 = arith.constant 16 : i32
        %mul3A_86 = arith.muli %scan3A_51, %mul3A_85 : i32
        %add3A_87 = arith.constant 2 : i32
        %add3A_88 = arith.addi %mul3A_86, %add3A_87 : i32
        %dma_start3A_89 = arith.constant 0 : i32
        %dma_start3A_90 = tpu.memref_slice %arg7[%add3A_88, %dma_start3A_89] : memref<512x64xf32, #tpu.memory_space<vmem>> -> memref<1x64xf32, #tpu.memory_space<vmem>>
        %dma_start3A_91 = arith.constant 0 : i32
        %dma_start3A_92 = tpu.memref_slice %arg2[%squeeze3A_84, %dma_start3A_91] : memref<1000000x64xf32, #tpu.memory_space<hbm>> -> memref<1x64xf32, #tpu.memory_space<hbm>>
        %dma_start3A_93 = arith.constant 0 : i32
        %dma_start3A_94 = tpu.memref_slice %arg7[%add3A_88, %dma_start3A_93] : memref<512x64xf32, #tpu.memory_space<vmem>> -> memref<1x64xf32, #tpu.memory_space<vmem>>
        %dma_start3A_95 = arith.constant 0 : i32
        %dma_start3A_96 = tpu.memref_slice %arg2[%squeeze3A_84, %dma_start3A_95] : memref<1000000x64xf32, #tpu.memory_space<hbm>> -> memref<1x64xf32, #tpu.memory_space<hbm>>
        tpu.enqueue_dma source(%dma_start3A_96 : memref<1x64xf32, #tpu.memory_space<hbm>>) target(%dma_start3A_94 : memref<1x64xf32, #tpu.memory_space<vmem>>) target_semaphore(%arg8 : memref<!tpu.dma_semaphore, #tpu.memory_space<semaphore_mem>>)
        %slice3A_97 = vector.extract_strided_slice %get3A_57 {offsets = [3], sizes = [1], strides = [1]} : vector<16xi32> to vector<1xi32>
        %squeeze3A_98 = vector.extract %slice3A_97[0] : i32 from vector<1xi32>
        %mul3A_99 = arith.constant 16 : i32
        %mul3A_100 = arith.muli %scan3A_51, %mul3A_99 : i32
        %add3A_101 = arith.constant 3 : i32
        %add3A_102 = arith.addi %mul3A_100, %add3A_101 : i32
        %dma_start3A_103 = arith.constant 0 : i32
        %dma_start3A_104 = tpu.memref_slice %arg7[%add3A_102, %dma_start3A_103] : memref<512x64xf32, #tpu.memory_space<vmem>> -> memref<1x64xf32, #tpu.memory_space<vmem>>
        %dma_start3A_105 = arith.constant 0 : i32
        %dma_start3A_106 = tpu.memref_slice %arg2[%squeeze3A_98, %dma_start3A_105] : memref<1000000x64xf32, #tpu.memory_space<hbm>> -> memref<1x64xf32, #tpu.memory_space<hbm>>
        %dma_start3A_107 = arith.constant 0 : i32
        %dma_start3A_108 = tpu.memref_slice %arg7[%add3A_102, %dma_start3A_107] : memref<512x64xf32, #tpu.memory_space<vmem>> -> memref<1x64xf32, #tpu.memory_space<vmem>>
        %dma_start3A_109 = arith.constant 0 : i32
        %dma_start3A_110 = tpu.memref_slice %arg2[%squeeze3A_98, %dma_start3A_109] : memref<1000000x64xf32, #tpu.memory_space<hbm>> -> memref<1x64xf32, #tpu.memory_space<hbm>>
        tpu.enqueue_dma source(%dma_start3A_110 : memref<1x64xf32, #tpu.memory_space<hbm>>) target(%dma_start3A_108 : memref<1x64xf32, #tpu.memory_space<vmem>>) target_semaphore(%arg8 : memref<!tpu.dma_semaphore, #tpu.memory_space<semaphore_mem>>)
        %slice3A_111 = vector.extract_strided_slice %get3A_57 {offsets = [4], sizes = [1], strides = [1]} : vector<16xi32> to vector<1xi32>
        %squeeze3A_112 = vector.extract %slice3A_111[0] : i32 from vector<1xi32>
        %mul3A_113 = arith.constant 16 : i32
        %mul3A_114 = arith.muli %scan3A_51, %mul3A_113 : i32
        %add3A_115 = arith.constant 4 : i32
        %add3A_116 = arith.addi %mul3A_114, %add3A_115 : i32
        %dma_start3A_117 = arith.constant 0 : i32
        %dma_start3A_118 = tpu.memref_slice %arg7[%add3A_116, %dma_start3A_117] : memref<512x64xf32, #tpu.memory_space<vmem>> -> memref<1x64xf32, #tpu.memory_space<vmem>>
        %dma_start3A_119 = arith.constant 0 : i32
        %dma_start3A_120 = tpu.memref_slice %arg2[%squeeze3A_112, %dma_start3A_119] : memref<1000000x64xf32, #tpu.memory_space<hbm>> -> memref<1x64xf32, #tpu.memory_space<hbm>>
        %dma_start3A_121 = arith.constant 0 : i32
        %dma_start3A_122 = tpu.memref_slice %arg7[%add3A_116, %dma_start3A_121] : memref<512x64xf32, #tpu.memory_space<vmem>> -> memref<1x64xf32, #tpu.memory_space<vmem>>
        %dma_start3A_123 = arith.constant 0 : i32
        %dma_start3A_124 = tpu.memref_slice %arg2[%squeeze3A_112, %dma_start3A_123] : memref<1000000x64xf32, #tpu.memory_space<hbm>> -> memref<1x64xf32, #tpu.memory_space<hbm>>
        tpu.enqueue_dma source(%dma_start3A_124 : memref<1x64xf32, #tpu.memory_space<hbm>>) target(%dma_start3A_122 : memref<1x64xf32, #tpu.memory_space<vmem>>) target_semaphore(%arg8 : memref<!tpu.dma_semaphore, #tpu.memory_space<semaphore_mem>>)
        %slice3A_125 = vector.extract_strided_slice %get3A_57 {offsets = [5], sizes = [1], strides = [1]} : vector<16xi32> to vector<1xi32>
        %squeeze3A_126 = vector.extract %slice3A_125[0] : i32 from vector<1xi32>
        %mul3A_127 = arith.constant 16 : i32
        %mul3A_128 = arith.muli %scan3A_51, %mul3A_127 : i32
        %add3A_129 = arith.constant 5 : i32
        %add3A_130 = arith.addi %mul3A_128, %add3A_129 : i32
        %dma_start3A_131 = arith.constant 0 : i32
        %dma_start3A_132 = tpu.memref_slice %arg7[%add3A_130, %dma_start3A_131] : memref<512x64xf32, #tpu.memory_space<vmem>> -> memref<1x64xf32, #tpu.memory_space<vmem>>
        %dma_start3A_133 = arith.constant 0 : i32
        %dma_start3A_134 = tpu.memref_slice %arg2[%squeeze3A_126, %dma_start3A_133] : memref<1000000x64xf32, #tpu.memory_space<hbm>> -> memref<1x64xf32, #tpu.memory_space<hbm>>
        %dma_start3A_135 = arith.constant 0 : i32
        %dma_start3A_136 = tpu.memref_slice %arg7[%add3A_130, %dma_start3A_135] : memref<512x64xf32, #tpu.memory_space<vmem>> -> memref<1x64xf32, #tpu.memory_space<vmem>>
        %dma_start3A_137 = arith.constant 0 : i32
        %dma_start3A_138 = tpu.memref_slice %arg2[%squeeze3A_126, %dma_start3A_137] : memref<1000000x64xf32, #tpu.memory_space<hbm>> -> memref<1x64xf32, #tpu.memory_space<hbm>>
        tpu.enqueue_dma source(%dma_start3A_138 : memref<1x64xf32, #tpu.memory_space<hbm>>) target(%dma_start3A_136 : memref<1x64xf32, #tpu.memory_space<vmem>>) target_semaphore(%arg8 : memref<!tpu.dma_semaphore, #tpu.memory_space<semaphore_mem>>)
        %slice3A_139 = vector.extract_strided_slice %get3A_57 {offsets = [6], sizes = [1], strides = [1]} : vector<16xi32> to vector<1xi32>
        %squeeze3A_140 = vector.extract %slice3A_139[0] : i32 from vector<1xi32>
        %mul3A_141 = arith.constant 16 : i32
        %mul3A_142 = arith.muli %scan3A_51, %mul3A_141 : i32
        %add3A_143 = arith.constant 6 : i32
        %add3A_144 = arith.addi %mul3A_142, %add3A_143 : i32
        %dma_start3A_145 = arith.constant 0 : i32
        %dma_start3A_146 = tpu.memref_slice %arg7[%add3A_144, %dma_start3A_145] : memref<512x64xf32, #tpu.memory_space<vmem>> -> memref<1x64xf32, #tpu.memory_space<vmem>>
        %dma_start3A_147 = arith.constant 0 : i32
        %dma_start3A_148 = tpu.memref_slice %arg2[%squeeze3A_140, %dma_start3A_147] : memref<1000000x64xf32, #tpu.memory_space<hbm>> -> memref<1x64xf32, #tpu.memory_space<hbm>>
        %dma_start3A_149 = arith.constant 0 : i32
        %dma_start3A_150 = tpu.memref_slice %arg7[%add3A_144, %dma_start3A_149] : memref<512x64xf32, #tpu.memory_space<vmem>> -> memref<1x64xf32, #tpu.memory_space<vmem>>
        %dma_start3A_151 = arith.constant 0 : i32
        %dma_start3A_152 = tpu.memref_slice %arg2[%squeeze3A_140, %dma_start3A_151] : memref<1000000x64xf32, #tpu.memory_space<hbm>> -> memref<1x64xf32, #tpu.memory_space<hbm>>
        tpu.enqueue_dma source(%dma_start3A_152 : memref<1x64xf32, #tpu.memory_space<hbm>>) target(%dma_start3A_150 : memref<1x64xf32, #tpu.memory_space<vmem>>) target_semaphore(%arg8 : memref<!tpu.dma_semaphore, #tpu.memory_space<semaphore_mem>>)
        %slice3A_153 = vector.extract_strided_slice %get3A_57 {offsets = [7], sizes = [1], strides = [1]} : vector<16xi32> to vector<1xi32>
        %squeeze3A_154 = vector.extract %slice3A_153[0] : i32 from vector<1xi32>
        %mul3A_155 = arith.constant 16 : i32
        %mul3A_156 = arith.muli %scan3A_51, %mul3A_155 : i32
        %add3A_157 = arith.constant 7 : i32
        %add3A_158 = arith.addi %mul3A_156, %add3A_157 : i32
        %dma_start3A_159 = arith.constant 0 : i32
        %dma_start3A_160 = tpu.memref_slice %arg7[%add3A_158, %dma_start3A_159] : memref<512x64xf32, #tpu.memory_space<vmem>> -> memref<1x64xf32, #tpu.memory_space<vmem>>
        %dma_start3A_161 = arith.constant 0 : i32
        %dma_start3A_162 = tpu.memref_slice %arg2[%squeeze3A_154, %dma_start3A_161] : memref<1000000x64xf32, #tpu.memory_space<hbm>> -> memref<1x64xf32, #tpu.memory_space<hbm>>
        %dma_start3A_163 = arith.constant 0 : i32
        %dma_start3A_164 = tpu.memref_slice %arg7[%add3A_158, %dma_start3A_163] : memref<512x64xf32, #tpu.memory_space<vmem>> -> memref<1x64xf32, #tpu.memory_space<vmem>>
        %dma_start3A_165 = arith.constant 0 : i32
        %dma_start3A_166 = tpu.memref_slice %arg2[%squeeze3A_154, %dma_start3A_165] : memref<1000000x64xf32, #tpu.memory_space<hbm>> -> memref<1x64xf32, #tpu.memory_space<hbm>>
        tpu.enqueue_dma source(%dma_start3A_166 : memref<1x64xf32, #tpu.memory_space<hbm>>) target(%dma_start3A_164 : memref<1x64xf32, #tpu.memory_space<vmem>>) target_semaphore(%arg8 : memref<!tpu.dma_semaphore, #tpu.memory_space<semaphore_mem>>)
        %slice3A_167 = vector.extract_strided_slice %get3A_57 {offsets = [8], sizes = [1], strides = [1]} : vector<16xi32> to vector<1xi32>
        %squeeze3A_168 = vector.extract %slice3A_167[0] : i32 from vector<1xi32>
        %mul3A_169 = arith.constant 16 : i32
        %mul3A_170 = arith.muli %scan3A_51, %mul3A_169 : i32
        %add3A_171 = arith.constant 8 : i32
        %add3A_172 = arith.addi %mul3A_170, %add3A_171 : i32
        %dma_start3A_173 = arith.constant 0 : i32
        %dma_start3A_174 = tpu.memref_slice %arg7[%add3A_172, %dma_start3A_173] : memref<512x64xf32, #tpu.memory_space<vmem>> -> memref<1x64xf32, #tpu.memory_space<vmem>>
        %dma_start3A_175 = arith.constant 0 : i32
        %dma_start3A_176 = tpu.memref_slice %arg2[%squeeze3A_168, %dma_start3A_175] : memref<1000000x64xf32, #tpu.memory_space<hbm>> -> memref<1x64xf32, #tpu.memory_space<hbm>>
        %dma_start3A_177 = arith.constant 0 : i32
        %dma_start3A_178 = tpu.memref_slice %arg7[%add3A_172, %dma_start3A_177] : memref<512x64xf32, #tpu.memory_space<vmem>> -> memref<1x64xf32, #tpu.memory_space<vmem>>
        %dma_start3A_179 = arith.constant 0 : i32
        %dma_start3A_180 = tpu.memref_slice %arg2[%squeeze3A_168, %dma_start3A_179] : memref<1000000x64xf32, #tpu.memory_space<hbm>> -> memref<1x64xf32, #tpu.memory_space<hbm>>
        tpu.enqueue_dma source(%dma_start3A_180 : memref<1x64xf32, #tpu.memory_space<hbm>>) target(%dma_start3A_178 : memref<1x64xf32, #tpu.memory_space<vmem>>) target_semaphore(%arg8 : memref<!tpu.dma_semaphore, #tpu.memory_space<semaphore_mem>>)
        %slice3A_181 = vector.extract_strided_slice %get3A_57 {offsets = [9], sizes = [1], strides = [1]} : vector<16xi32> to vector<1xi32>
        %squeeze3A_182 = vector.extract %slice3A_181[0] : i32 from vector<1xi32>
        %mul3A_183 = arith.constant 16 : i32
        %mul3A_184 = arith.muli %scan3A_51, %mul3A_183 : i32
        %add3A_185 = arith.constant 9 : i32
        %add3A_186 = arith.addi %mul3A_184, %add3A_185 : i32
        %dma_start3A_187 = arith.constant 0 : i32
        %dma_start3A_188 = tpu.memref_slice %arg7[%add3A_186, %dma_start3A_187] : memref<512x64xf32, #tpu.memory_space<vmem>> -> memref<1x64xf32, #tpu.memory_space<vmem>>
        %dma_start3A_189 = arith.constant 0 : i32
        %dma_start3A_190 = tpu.memref_slice %arg2[%squeeze3A_182, %dma_start3A_189] : memref<1000000x64xf32, #tpu.memory_space<hbm>> -> memref<1x64xf32, #tpu.memory_space<hbm>>
        %dma_start3A_191 = arith.constant 0 : i32
        %dma_start3A_192 = tpu.memref_slice %arg7[%add3A_186, %dma_start3A_191] : memref<512x64xf32, #tpu.memory_space<vmem>> -> memref<1x64xf32, #tpu.memory_space<vmem>>
        %dma_start3A_193 = arith.constant 0 : i32
        %dma_start3A_194 = tpu.memref_slice %arg2[%squeeze3A_182, %dma_start3A_193] : memref<1000000x64xf32, #tpu.memory_space<hbm>> -> memref<1x64xf32, #tpu.memory_space<hbm>>
        tpu.enqueue_dma source(%dma_start3A_194 : memref<1x64xf32, #tpu.memory_space<hbm>>) target(%dma_start3A_192 : memref<1x64xf32, #tpu.memory_space<vmem>>) target_semaphore(%arg8 : memref<!tpu.dma_semaphore, #tpu.memory_space<semaphore_mem>>)
        %slice3A_195 = vector.extract_strided_slice %get3A_57 {offsets = [10], sizes = [1], strides = [1]} : vector<16xi32> to vector<1xi32>
        %squeeze3A_196 = vector.extract %slice3A_195[0] : i32 from vector<1xi32>
        %mul3A_197 = arith.constant 16 : i32
        %mul3A_198 = arith.muli %scan3A_51, %mul3A_197 : i32
        %add3A_199 = arith.constant 10 : i32
        %add3A_200 = arith.addi %mul3A_198, %add3A_199 : i32
        %dma_start3A_201 = arith.constant 0 : i32
        %dma_start3A_202 = tpu.memref_slice %arg7[%add3A_200, %dma_start3A_201] : memref<512x64xf32, #tpu.memory_space<vmem>> -> memref<1x64xf32, #tpu.memory_space<vmem>>
        %dma_start3A_203 = arith.constant 0 : i32
        %dma_start3A_204 = tpu.memref_slice %arg2[%squeeze3A_196, %dma_start3A_203] : memref<1000000x64xf32, #tpu.memory_space<hbm>> -> memref<1x64xf32, #tpu.memory_space<hbm>>
        %dma_start3A_205 = arith.constant 0 : i32
        %dma_start3A_206 = tpu.memref_slice %arg7[%add3A_200, %dma_start3A_205] : memref<512x64xf32, #tpu.memory_space<vmem>> -> memref<1x64xf32, #tpu.memory_space<vmem>>
        %dma_start3A_207 = arith.constant 0 : i32
        %dma_start3A_208 = tpu.memref_slice %arg2[%squeeze3A_196, %dma_start3A_207] : memref<1000000x64xf32, #tpu.memory_space<hbm>> -> memref<1x64xf32, #tpu.memory_space<hbm>>
        tpu.enqueue_dma source(%dma_start3A_208 : memref<1x64xf32, #tpu.memory_space<hbm>>) target(%dma_start3A_206 : memref<1x64xf32, #tpu.memory_space<vmem>>) target_semaphore(%arg8 : memref<!tpu.dma_semaphore, #tpu.memory_space<semaphore_mem>>)
        %slice3A_209 = vector.extract_strided_slice %get3A_57 {offsets = [11], sizes = [1], strides = [1]} : vector<16xi32> to vector<1xi32>
        %squeeze3A_210 = vector.extract %slice3A_209[0] : i32 from vector<1xi32>
        %mul3A_211 = arith.constant 16 : i32
        %mul3A_212 = arith.muli %scan3A_51, %mul3A_211 : i32
        %add3A_213 = arith.constant 11 : i32
        %add3A_214 = arith.addi %mul3A_212, %add3A_213 : i32
        %dma_start3A_215 = arith.constant 0 : i32
        %dma_start3A_216 = tpu.memref_slice %arg7[%add3A_214, %dma_start3A_215] : memref<512x64xf32, #tpu.memory_space<vmem>> -> memref<1x64xf32, #tpu.memory_space<vmem>>
        %dma_start3A_217 = arith.constant 0 : i32
        %dma_start3A_218 = tpu.memref_slice %arg2[%squeeze3A_210, %dma_start3A_217] : memref<1000000x64xf32, #tpu.memory_space<hbm>> -> memref<1x64xf32, #tpu.memory_space<hbm>>
        %dma_start3A_219 = arith.constant 0 : i32
        %dma_start3A_220 = tpu.memref_slice %arg7[%add3A_214, %dma_start3A_219] : memref<512x64xf32, #tpu.memory_space<vmem>> -> memref<1x64xf32, #tpu.memory_space<vmem>>
        %dma_start3A_221 = arith.constant 0 : i32
        %dma_start3A_222 = tpu.memref_slice %arg2[%squeeze3A_210, %dma_start3A_221] : memref<1000000x64xf32, #tpu.memory_space<hbm>> -> memref<1x64xf32, #tpu.memory_space<hbm>>
        tpu.enqueue_dma source(%dma_start3A_222 : memref<1x64xf32, #tpu.memory_space<hbm>>) target(%dma_start3A_220 : memref<1x64xf32, #tpu.memory_space<vmem>>) target_semaphore(%arg8 : memref<!tpu.dma_semaphore, #tpu.memory_space<semaphore_mem>>)
        %slice3A_223 = vector.extract_strided_slice %get3A_57 {offsets = [12], sizes = [1], strides = [1]} : vector<16xi32> to vector<1xi32>
        %squeeze3A_224 = vector.extract %slice3A_223[0] : i32 from vector<1xi32>
        %mul3A_225 = arith.constant 16 : i32
        %mul3A_226 = arith.muli %scan3A_51, %mul3A_225 : i32
        %add3A_227 = arith.constant 12 : i32
        %add3A_228 = arith.addi %mul3A_226, %add3A_227 : i32
        %dma_start3A_229 = arith.constant 0 : i32
        %dma_start3A_230 = tpu.memref_slice %arg7[%add3A_228, %dma_start3A_229] : memref<512x64xf32, #tpu.memory_space<vmem>> -> memref<1x64xf32, #tpu.memory_space<vmem>>
        %dma_start3A_231 = arith.constant 0 : i32
        %dma_start3A_232 = tpu.memref_slice %arg2[%squeeze3A_224, %dma_start3A_231] : memref<1000000x64xf32, #tpu.memory_space<hbm>> -> memref<1x64xf32, #tpu.memory_space<hbm>>
        %dma_start3A_233 = arith.constant 0 : i32
        %dma_start3A_234 = tpu.memref_slice %arg7[%add3A_228, %dma_start3A_233] : memref<512x64xf32, #tpu.memory_space<vmem>> -> memref<1x64xf32, #tpu.memory_space<vmem>>
        %dma_start3A_235 = arith.constant 0 : i32
        %dma_start3A_236 = tpu.memref_slice %arg2[%squeeze3A_224, %dma_start3A_235] : memref<1000000x64xf32, #tpu.memory_space<hbm>> -> memref<1x64xf32, #tpu.memory_space<hbm>>
        tpu.enqueue_dma source(%dma_start3A_236 : memref<1x64xf32, #tpu.memory_space<hbm>>) target(%dma_start3A_234 : memref<1x64xf32, #tpu.memory_space<vmem>>) target_semaphore(%arg8 : memref<!tpu.dma_semaphore, #tpu.memory_space<semaphore_mem>>)
        %slice3A_237 = vector.extract_strided_slice %get3A_57 {offsets = [13], sizes = [1], strides = [1]} : vector<16xi32> to vector<1xi32>
        %squeeze3A_238 = vector.extract %slice3A_237[0] : i32 from vector<1xi32>
        %mul3A_239 = arith.constant 16 : i32
        %mul3A_240 = arith.muli %scan3A_51, %mul3A_239 : i32
        %add3A_241 = arith.constant 13 : i32
        %add3A_242 = arith.addi %mul3A_240, %add3A_241 : i32
        %dma_start3A_243 = arith.constant 0 : i32
        %dma_start3A_244 = tpu.memref_slice %arg7[%add3A_242, %dma_start3A_243] : memref<512x64xf32, #tpu.memory_space<vmem>> -> memref<1x64xf32, #tpu.memory_space<vmem>>
        %dma_start3A_245 = arith.constant 0 : i32
        %dma_start3A_246 = tpu.memref_slice %arg2[%squeeze3A_238, %dma_start3A_245] : memref<1000000x64xf32, #tpu.memory_space<hbm>> -> memref<1x64xf32, #tpu.memory_space<hbm>>
        %dma_start3A_247 = arith.constant 0 : i32
        %dma_start3A_248 = tpu.memref_slice %arg7[%add3A_242, %dma_start3A_247] : memref<512x64xf32, #tpu.memory_space<vmem>> -> memref<1x64xf32, #tpu.memory_space<vmem>>
        %dma_start3A_249 = arith.constant 0 : i32
        %dma_start3A_250 = tpu.memref_slice %arg2[%squeeze3A_238, %dma_start3A_249] : memref<1000000x64xf32, #tpu.memory_space<hbm>> -> memref<1x64xf32, #tpu.memory_space<hbm>>
        tpu.enqueue_dma source(%dma_start3A_250 : memref<1x64xf32, #tpu.memory_space<hbm>>) target(%dma_start3A_248 : memref<1x64xf32, #tpu.memory_space<vmem>>) target_semaphore(%arg8 : memref<!tpu.dma_semaphore, #tpu.memory_space<semaphore_mem>>)
        %slice3A_251 = vector.extract_strided_slice %get3A_57 {offsets = [14], sizes = [1], strides = [1]} : vector<16xi32> to vector<1xi32>
        %squeeze3A_252 = vector.extract %slice3A_251[0] : i32 from vector<1xi32>
        %mul3A_253 = arith.constant 16 : i32
        %mul3A_254 = arith.muli %scan3A_51, %mul3A_253 : i32
        %add3A_255 = arith.constant 14 : i32
        %add3A_256 = arith.addi %mul3A_254, %add3A_255 : i32
        %dma_start3A_257 = arith.constant 0 : i32
        %dma_start3A_258 = tpu.memref_slice %arg7[%add3A_256, %dma_start3A_257] : memref<512x64xf32, #tpu.memory_space<vmem>> -> memref<1x64xf32, #tpu.memory_space<vmem>>
        %dma_start3A_259 = arith.constant 0 : i32
        %dma_start3A_260 = tpu.memref_slice %arg2[%squeeze3A_252, %dma_start3A_259] : memref<1000000x64xf32, #tpu.memory_space<hbm>> -> memref<1x64xf32, #tpu.memory_space<hbm>>
        %dma_start3A_261 = arith.constant 0 : i32
        %dma_start3A_262 = tpu.memref_slice %arg7[%add3A_256, %dma_start3A_261] : memref<512x64xf32, #tpu.memory_space<vmem>> -> memref<1x64xf32, #tpu.memory_space<vmem>>
        %dma_start3A_263 = arith.constant 0 : i32
        %dma_start3A_264 = tpu.memref_slice %arg2[%squeeze3A_252, %dma_start3A_263] : memref<1000000x64xf32, #tpu.memory_space<hbm>> -> memref<1x64xf32, #tpu.memory_space<hbm>>
        tpu.enqueue_dma source(%dma_start3A_264 : memref<1x64xf32, #tpu.memory_space<hbm>>) target(%dma_start3A_262 : memref<1x64xf32, #tpu.memory_space<vmem>>) target_semaphore(%arg8 : memref<!tpu.dma_semaphore, #tpu.memory_space<semaphore_mem>>)
        %slice3A_265 = vector.extract_strided_slice %get3A_57 {offsets = [15], sizes = [1], strides = [1]} : vector<16xi32> to vector<1xi32>
        %squeeze3A_266 = vector.extract %slice3A_265[0] : i32 from vector<1xi32>
        %mul3A_267 = arith.constant 16 : i32
        %mul3A_268 = arith.muli %scan3A_51, %mul3A_267 : i32
        %add3A_269 = arith.constant 15 : i32
        %add3A_270 = arith.addi %mul3A_268, %add3A_269 : i32
        %dma_start3A_271 = arith.constant 0 : i32
        %dma_start3A_272 = tpu.memref_slice %arg7[%add3A_270, %dma_start3A_271] : memref<512x64xf32, #tpu.memory_space<vmem>> -> memref<1x64xf32, #tpu.memory_space<vmem>>
        %dma_start3A_273 = arith.constant 0 : i32
        %dma_start3A_274 = tpu.memref_slice %arg2[%squeeze3A_266, %dma_start3A_273] : memref<1000000x64xf32, #tpu.memory_space<hbm>> -> memref<1x64xf32, #tpu.memory_space<hbm>>
        %dma_start3A_275 = arith.constant 0 : i32
        %dma_start3A_276 = tpu.memref_slice %arg7[%add3A_270, %dma_start3A_275] : memref<512x64xf32, #tpu.memory_space<vmem>> -> memref<1x64xf32, #tpu.memory_space<vmem>>
        %dma_start3A_277 = arith.constant 0 : i32
        %dma_start3A_278 = tpu.memref_slice %arg2[%squeeze3A_266, %dma_start3A_277] : memref<1000000x64xf32, #tpu.memory_space<hbm>> -> memref<1x64xf32, #tpu.memory_space<hbm>>
        tpu.enqueue_dma source(%dma_start3A_278 : memref<1x64xf32, #tpu.memory_space<hbm>>) target(%dma_start3A_276 : memref<1x64xf32, #tpu.memory_space<vmem>>) target_semaphore(%arg8 : memref<!tpu.dma_semaphore, #tpu.memory_space<semaphore_mem>>)
      }
      %scan3A_42 = arith.constant 32 : i32
      %dma_wait3A = arith.constant 0 : i32
      %dma_wait3A_43 = arith.constant 0 : i32
      %dma_wait3A_44 = tpu.memref_slice %arg2[%dma_wait3A, %dma_wait3A_43] : memref<1000000x64xf32, #tpu.memory_space<hbm>> -> memref<512x64xf32, #tpu.memory_space<hbm>>
      %dma_wait3A_45 = arith.constant 0 : i32
      %dma_wait3A_46 = arith.constant 0 : i32
      %dma_wait3A_47 = tpu.memref_slice %arg2[%dma_wait3A_45, %dma_wait3A_46] : memref<1000000x64xf32, #tpu.memory_space<hbm>> -> memref<512x64xf32, #tpu.memory_space<hbm>>
      tpu.wait_dma2 semaphore(%arg8 : memref<!tpu.dma_semaphore, #tpu.memory_space<semaphore_mem>>) src(%dma_wait3A_47 : memref<512x64xf32, #tpu.memory_space<hbm>>) dst(%arg7 : memref<512x64xf32, #tpu.memory_space<vmem>>)
      %mul3A_48 = arith.constant 512 : i32
      %mul3A_49 = arith.muli %scan3A_36, %mul3A_48 : i32
      %add3A_50 = arith.addi %mul3A_2, %mul3A_49 : i32
      "tpu.region"() ({
        %run_scoped3A = tpu.sem_alloc : memref<!tpu.dma_semaphore, #tpu.memory_space<semaphore_mem>>
        %dma_start3A = arith.constant 0 : i32
        %dma_start3A_51 = tpu.memref_slice %arg4[%add3A_50, %dma_start3A] : memref<32768x64xf32, #tpu.memory_space<hbm>> -> memref<512x64xf32, #tpu.memory_space<hbm>>
        %dma_start3A_52 = arith.constant 0 : i32
        %dma_start3A_53 = tpu.memref_slice %arg4[%add3A_50, %dma_start3A_52] : memref<32768x64xf32, #tpu.memory_space<hbm>> -> memref<512x64xf32, #tpu.memory_space<hbm>>
        tpu.enqueue_dma source(%arg7 : memref<512x64xf32, #tpu.memory_space<vmem>>) target(%dma_start3A_53 : memref<512x64xf32, #tpu.memory_space<hbm>>) target_semaphore(%run_scoped3A : memref<!tpu.dma_semaphore, #tpu.memory_space<semaphore_mem>>)
        %dma_wait3A_54 = arith.constant 0 : i32
        %dma_wait3A_55 = tpu.memref_slice %arg4[%add3A_50, %dma_wait3A_54] : memref<32768x64xf32, #tpu.memory_space<hbm>> -> memref<512x64xf32, #tpu.memory_space<hbm>>
        %dma_wait3A_56 = arith.constant 0 : i32
        %dma_wait3A_57 = tpu.memref_slice %arg4[%add3A_50, %dma_wait3A_56] : memref<32768x64xf32, #tpu.memory_space<hbm>> -> memref<512x64xf32, #tpu.memory_space<hbm>>
        tpu.wait_dma2 semaphore(%run_scoped3A : memref<!tpu.dma_semaphore, #tpu.memory_space<semaphore_mem>>) src(%arg7 : memref<512x64xf32, #tpu.memory_space<vmem>>) dst(%dma_wait3A_57 : memref<512x64xf32, #tpu.memory_space<hbm>>)
        tpu.yield
      }) : () -> ()
    }
    %scan3A_35 = arith.constant 2 : i32
    return
  }
}

module attributes {stable_mosaic.version = 14 : i64} {
  func.func @_mlp_body(%arg0: i32, %arg1: memref<8x512x64xf32, #tpu.memory_space<vmem>>, %arg2: memref<8x64x64xf32, #tpu.memory_space<vmem>>, %arg3: memref<1x64xf32, #tpu.memory_space<vmem>>, %arg4: memref<1x64xf32, #tpu.memory_space<vmem>>, %arg5: memref<1x1xf32, #tpu.memory_space<vmem>>, %arg6: memref<512x1xf32, #tpu.memory_space<vmem>>) attributes {dimension_semantics = [#tpu.dimension_semantics<arbitrary>], iteration_bounds = array<i64: 8>, scalar_prefetch = 0 : i64, scratch_operands = 0 : i64, tpu.core_type = #tpu.core_type<tc>, window_params = [{transform_indices = @transform_0, window_bounds = array<i64: 8, 512, 64>}, {pipeline_mode = #tpu.pipeline_mode<synchronous>, transform_indices = @transform_1, window_bounds = array<i64: 8, 64, 64>}, {pipeline_mode = #tpu.pipeline_mode<synchronous>, transform_indices = @transform_2, window_bounds = array<i64: 1, 64>}, {pipeline_mode = #tpu.pipeline_mode<synchronous>, transform_indices = @transform_3, window_bounds = array<i64: 1, 64>}, {pipeline_mode = #tpu.pipeline_mode<synchronous>, transform_indices = @transform_4, window_bounds = array<i64: 1, 1>}, {transform_indices = @transform_5, window_bounds = array<i64: 512, 1>}]} {
    %get3A = arith.constant 0 : index
    %get3A_0 = arith.constant 0 : index
    %get3A_1 = arith.constant 0 : index
    %get3A_2 = vector.load %arg1[%get3A, %get3A_0, %get3A_1] : memref<8x512x64xf32, #tpu.memory_space<vmem>>, vector<1x512x64xf32>
    %get3A_3 = vector.shape_cast %get3A_2 : vector<1x512x64xf32> to vector<512x64xf32>
    %get3A_4 = arith.constant 0 : index
    %get3A_5 = arith.constant 0 : index
    %get3A_6 = arith.constant 0 : index
    %get3A_7 = vector.load %arg2[%get3A_4, %get3A_5, %get3A_6] : memref<8x64x64xf32, #tpu.memory_space<vmem>>, vector<1x64x64xf32>
    %get3A_8 = vector.shape_cast %get3A_7 : vector<1x64x64xf32> to vector<64x64xf32>
    %dot_general3A = arith.constant dense<0.000000e+00> : vector<512x64xf32>
    %dot_general3A_9 = tpu.matmul %get3A_3, %get3A_8, %dot_general3A {dimension_numbers = #tpu.dot_dimension_numbers<[1], [0], [0], [1], [0, 0, 1, 1], [], []>, transpose_lhs_hint = false} : vector<512x64xf32>, vector<64x64xf32>, vector<512x64xf32> -> vector<512x64xf32>
    %get3A_10 = arith.constant 1 : index
    %get3A_11 = arith.constant 0 : index
    %get3A_12 = arith.constant 0 : index
    %get3A_13 = vector.load %arg1[%get3A_10, %get3A_11, %get3A_12] : memref<8x512x64xf32, #tpu.memory_space<vmem>>, vector<1x512x64xf32>
    %get3A_14 = vector.shape_cast %get3A_13 : vector<1x512x64xf32> to vector<512x64xf32>
    %get3A_15 = arith.constant 1 : index
    %get3A_16 = arith.constant 0 : index
    %get3A_17 = arith.constant 0 : index
    %get3A_18 = vector.load %arg2[%get3A_15, %get3A_16, %get3A_17] : memref<8x64x64xf32, #tpu.memory_space<vmem>>, vector<1x64x64xf32>
    %get3A_19 = vector.shape_cast %get3A_18 : vector<1x64x64xf32> to vector<64x64xf32>
    %dot_general3A_20 = arith.constant dense<0.000000e+00> : vector<512x64xf32>
    %dot_general3A_21 = tpu.matmul %get3A_14, %get3A_19, %dot_general3A_20 {dimension_numbers = #tpu.dot_dimension_numbers<[1], [0], [0], [1], [0, 0, 1, 1], [], []>, transpose_lhs_hint = false} : vector<512x64xf32>, vector<64x64xf32>, vector<512x64xf32> -> vector<512x64xf32>
    %add3A = arith.addf %dot_general3A_9, %dot_general3A_21 : vector<512x64xf32>
    %get3A_22 = arith.constant 2 : index
    %get3A_23 = arith.constant 0 : index
    %get3A_24 = arith.constant 0 : index
    %get3A_25 = vector.load %arg1[%get3A_22, %get3A_23, %get3A_24] : memref<8x512x64xf32, #tpu.memory_space<vmem>>, vector<1x512x64xf32>
    %get3A_26 = vector.shape_cast %get3A_25 : vector<1x512x64xf32> to vector<512x64xf32>
    %get3A_27 = arith.constant 2 : index
    %get3A_28 = arith.constant 0 : index
    %get3A_29 = arith.constant 0 : index
    %get3A_30 = vector.load %arg2[%get3A_27, %get3A_28, %get3A_29] : memref<8x64x64xf32, #tpu.memory_space<vmem>>, vector<1x64x64xf32>
    %get3A_31 = vector.shape_cast %get3A_30 : vector<1x64x64xf32> to vector<64x64xf32>
    %dot_general3A_32 = arith.constant dense<0.000000e+00> : vector<512x64xf32>
    %dot_general3A_33 = tpu.matmul %get3A_26, %get3A_31, %dot_general3A_32 {dimension_numbers = #tpu.dot_dimension_numbers<[1], [0], [0], [1], [0, 0, 1, 1], [], []>, transpose_lhs_hint = false} : vector<512x64xf32>, vector<64x64xf32>, vector<512x64xf32> -> vector<512x64xf32>
    %add3A_34 = arith.addf %add3A, %dot_general3A_33 : vector<512x64xf32>
    %get3A_35 = arith.constant 3 : index
    %get3A_36 = arith.constant 0 : index
    %get3A_37 = arith.constant 0 : index
    %get3A_38 = vector.load %arg1[%get3A_35, %get3A_36, %get3A_37] : memref<8x512x64xf32, #tpu.memory_space<vmem>>, vector<1x512x64xf32>
    %get3A_39 = vector.shape_cast %get3A_38 : vector<1x512x64xf32> to vector<512x64xf32>
    %get3A_40 = arith.constant 3 : index
    %get3A_41 = arith.constant 0 : index
    %get3A_42 = arith.constant 0 : index
    %get3A_43 = vector.load %arg2[%get3A_40, %get3A_41, %get3A_42] : memref<8x64x64xf32, #tpu.memory_space<vmem>>, vector<1x64x64xf32>
    %get3A_44 = vector.shape_cast %get3A_43 : vector<1x64x64xf32> to vector<64x64xf32>
    %dot_general3A_45 = arith.constant dense<0.000000e+00> : vector<512x64xf32>
    %dot_general3A_46 = tpu.matmul %get3A_39, %get3A_44, %dot_general3A_45 {dimension_numbers = #tpu.dot_dimension_numbers<[1], [0], [0], [1], [0, 0, 1, 1], [], []>, transpose_lhs_hint = false} : vector<512x64xf32>, vector<64x64xf32>, vector<512x64xf32> -> vector<512x64xf32>
    %add3A_47 = arith.addf %add3A_34, %dot_general3A_46 : vector<512x64xf32>
    %get3A_48 = arith.constant 4 : index
    %get3A_49 = arith.constant 0 : index
    %get3A_50 = arith.constant 0 : index
    %get3A_51 = vector.load %arg1[%get3A_48, %get3A_49, %get3A_50] : memref<8x512x64xf32, #tpu.memory_space<vmem>>, vector<1x512x64xf32>
    %get3A_52 = vector.shape_cast %get3A_51 : vector<1x512x64xf32> to vector<512x64xf32>
    %get3A_53 = arith.constant 4 : index
    %get3A_54 = arith.constant 0 : index
    %get3A_55 = arith.constant 0 : index
    %get3A_56 = vector.load %arg2[%get3A_53, %get3A_54, %get3A_55] : memref<8x64x64xf32, #tpu.memory_space<vmem>>, vector<1x64x64xf32>
    %get3A_57 = vector.shape_cast %get3A_56 : vector<1x64x64xf32> to vector<64x64xf32>
    %dot_general3A_58 = arith.constant dense<0.000000e+00> : vector<512x64xf32>
    %dot_general3A_59 = tpu.matmul %get3A_52, %get3A_57, %dot_general3A_58 {dimension_numbers = #tpu.dot_dimension_numbers<[1], [0], [0], [1], [0, 0, 1, 1], [], []>, transpose_lhs_hint = false} : vector<512x64xf32>, vector<64x64xf32>, vector<512x64xf32> -> vector<512x64xf32>
    %add3A_60 = arith.addf %add3A_47, %dot_general3A_59 : vector<512x64xf32>
    %get3A_61 = arith.constant 5 : index
    %get3A_62 = arith.constant 0 : index
    %get3A_63 = arith.constant 0 : index
    %get3A_64 = vector.load %arg1[%get3A_61, %get3A_62, %get3A_63] : memref<8x512x64xf32, #tpu.memory_space<vmem>>, vector<1x512x64xf32>
    %get3A_65 = vector.shape_cast %get3A_64 : vector<1x512x64xf32> to vector<512x64xf32>
    %get3A_66 = arith.constant 5 : index
    %get3A_67 = arith.constant 0 : index
    %get3A_68 = arith.constant 0 : index
    %get3A_69 = vector.load %arg2[%get3A_66, %get3A_67, %get3A_68] : memref<8x64x64xf32, #tpu.memory_space<vmem>>, vector<1x64x64xf32>
    %get3A_70 = vector.shape_cast %get3A_69 : vector<1x64x64xf32> to vector<64x64xf32>
    %dot_general3A_71 = arith.constant dense<0.000000e+00> : vector<512x64xf32>
    %dot_general3A_72 = tpu.matmul %get3A_65, %get3A_70, %dot_general3A_71 {dimension_numbers = #tpu.dot_dimension_numbers<[1], [0], [0], [1], [0, 0, 1, 1], [], []>, transpose_lhs_hint = false} : vector<512x64xf32>, vector<64x64xf32>, vector<512x64xf32> -> vector<512x64xf32>
    %add3A_73 = arith.addf %add3A_60, %dot_general3A_72 : vector<512x64xf32>
    %get3A_74 = arith.constant 6 : index
    %get3A_75 = arith.constant 0 : index
    %get3A_76 = arith.constant 0 : index
    %get3A_77 = vector.load %arg1[%get3A_74, %get3A_75, %get3A_76] : memref<8x512x64xf32, #tpu.memory_space<vmem>>, vector<1x512x64xf32>
    %get3A_78 = vector.shape_cast %get3A_77 : vector<1x512x64xf32> to vector<512x64xf32>
    %get3A_79 = arith.constant 6 : index
    %get3A_80 = arith.constant 0 : index
    %get3A_81 = arith.constant 0 : index
    %get3A_82 = vector.load %arg2[%get3A_79, %get3A_80, %get3A_81] : memref<8x64x64xf32, #tpu.memory_space<vmem>>, vector<1x64x64xf32>
    %get3A_83 = vector.shape_cast %get3A_82 : vector<1x64x64xf32> to vector<64x64xf32>
    %dot_general3A_84 = arith.constant dense<0.000000e+00> : vector<512x64xf32>
    %dot_general3A_85 = tpu.matmul %get3A_78, %get3A_83, %dot_general3A_84 {dimension_numbers = #tpu.dot_dimension_numbers<[1], [0], [0], [1], [0, 0, 1, 1], [], []>, transpose_lhs_hint = false} : vector<512x64xf32>, vector<64x64xf32>, vector<512x64xf32> -> vector<512x64xf32>
    %add3A_86 = arith.addf %add3A_73, %dot_general3A_85 : vector<512x64xf32>
    %get3A_87 = arith.constant 7 : index
    %get3A_88 = arith.constant 0 : index
    %get3A_89 = arith.constant 0 : index
    %get3A_90 = vector.load %arg1[%get3A_87, %get3A_88, %get3A_89] : memref<8x512x64xf32, #tpu.memory_space<vmem>>, vector<1x512x64xf32>
    %get3A_91 = vector.shape_cast %get3A_90 : vector<1x512x64xf32> to vector<512x64xf32>
    %get3A_92 = arith.constant 7 : index
    %get3A_93 = arith.constant 0 : index
    %get3A_94 = arith.constant 0 : index
    %get3A_95 = vector.load %arg2[%get3A_92, %get3A_93, %get3A_94] : memref<8x64x64xf32, #tpu.memory_space<vmem>>, vector<1x64x64xf32>
    %get3A_96 = vector.shape_cast %get3A_95 : vector<1x64x64xf32> to vector<64x64xf32>
    %dot_general3A_97 = arith.constant dense<0.000000e+00> : vector<512x64xf32>
    %dot_general3A_98 = tpu.matmul %get3A_91, %get3A_96, %dot_general3A_97 {dimension_numbers = #tpu.dot_dimension_numbers<[1], [0], [0], [1], [0, 0, 1, 1], [], []>, transpose_lhs_hint = false} : vector<512x64xf32>, vector<64x64xf32>, vector<512x64xf32> -> vector<512x64xf32>
    %add3A_99 = arith.addf %add3A_86, %dot_general3A_98 : vector<512x64xf32>
    %get3A_100 = arith.constant 0 : index
    %get3A_101 = arith.constant 0 : index
    %get3A_102 = vector.load %arg3[%get3A_100, %get3A_101] : memref<1x64xf32, #tpu.memory_space<vmem>>, vector<1x64xf32>
    %add3A_103 = vector.broadcast %get3A_102 : vector<1x64xf32> to vector<512x64xf32>
    %add3A_104 = arith.addf %add3A_99, %add3A_103 : vector<512x64xf32>
    %max3A = arith.constant 0.000000e+00 : f32
    %max3A_105 = vector.broadcast %max3A : f32 to vector<512x64xf32>
    %max3A_106 = arith.maximumf %add3A_104, %max3A_105 : vector<512x64xf32>
    %get3A_107 = arith.constant 0 : index
    %get3A_108 = arith.constant 0 : index
    %get3A_109 = vector.load %arg4[%get3A_107, %get3A_108] : memref<1x64xf32, #tpu.memory_space<vmem>>, vector<1x64xf32>
    %mul3A = vector.broadcast %get3A_109 : vector<1x64xf32> to vector<512x64xf32>
    %mul3A_110 = arith.mulf %max3A_106, %mul3A : vector<512x64xf32>
    %reduce_sum3A = arith.constant dense<0.000000e+00> : vector<512xf32>
    %reduce_sum3A_111 = vector.multi_reduction <add>, %mul3A_110, %reduce_sum3A [1] : vector<512x64xf32> to vector<512xf32>
    %broadcast_in_dim3A = vector.shape_cast %reduce_sum3A_111 : vector<512xf32> to vector<512x1xf32>
    %get3A_112 = arith.constant 0 : index
    %get3A_113 = arith.constant 0 : index
    %get3A_114 = vector.load %arg5[%get3A_112, %get3A_113] : memref<1x1xf32, #tpu.memory_space<vmem>>, vector<1x1xf32>
    %add3A_115 = vector.broadcast %get3A_114 : vector<1x1xf32> to vector<512x1xf32>
    %add3A_116 = arith.addf %broadcast_in_dim3A, %add3A_115 : vector<512x1xf32>
    %swap3A = arith.constant 0 : index
    %swap3A_117 = arith.constant 0 : index
    %swap3A_118 = vector.load %arg6[%swap3A, %swap3A_117] : memref<512x1xf32, #tpu.memory_space<vmem>>, vector<512x1xf32>
    tpu.vector_store %arg6[%swap3A, %swap3A_117], %add3A_116 {strides = array<i32>} : memref<512x1xf32, #tpu.memory_space<vmem>>, vector<512x1xf32>,
    return
  }
  func.func @transform_0(%arg0: i32) -> (i32, i32, i32) {
    %c0_i32 = arith.constant 0 : i32
    %c0_i32_0 = arith.constant 0 : i32
    %c0_i32_1 = arith.constant 0 : i32
    return %c0_i32, %arg0, %c0_i32_0 : i32, i32, i32
  }
  func.func @transform_1(%arg0: i32) -> (i32, i32, i32) {
    %c0_i32 = arith.constant 0 : i32
    %c0_i32_0 = arith.constant 0 : i32
    %c0_i32_1 = arith.constant 0 : i32
    %c0_i32_2 = arith.constant 0 : i32
    return %c0_i32, %c0_i32_0, %c0_i32_1 : i32, i32, i32
  }
  func.func @transform_2(%arg0: i32) -> (i32, i32) {
    %c0_i32 = arith.constant 0 : i32
    %c0_i32_0 = arith.constant 0 : i32
    %c0_i32_1 = arith.constant 0 : i32
    return %c0_i32, %c0_i32_0 : i32, i32
  }
  func.func @transform_3(%arg0: i32) -> (i32, i32) {
    %c0_i32 = arith.constant 0 : i32
    %c0_i32_0 = arith.constant 0 : i32
    %c0_i32_1 = arith.constant 0 : i32
    return %c0_i32, %c0_i32_0 : i32, i32
  }
  func.func @transform_4(%arg0: i32) -> (i32, i32) {
    %c0_i32 = arith.constant 0 : i32
    %c0_i32_0 = arith.constant 0 : i32
    %c0_i32_1 = arith.constant 0 : i32
    return %c0_i32, %c0_i32_0 : i32, i32
  }
  func.func @transform_5(%arg0: i32) -> (i32, i32) {
    %c0_i32 = arith.constant 0 : i32
    %c0_i32_0 = arith.constant 0 : i32
    return %arg0, %c0_i32 : i32, i32
  }
}

</mosaic_0001>

<sc_bundles>
// kernel: kernel.4.cloned.1.call-start
scs
__scs_entry_jumppad:
0x0: {  	(pc) =	sbr.rel $0x88, $3  }
0x1: {  	(tag) =	ssettag $0x0;
	lr =	simm.s32 $0x1  }
0x2: {  	[smem:$0x3F99] =	sst lr;
	_ =	strace $0xD0000000  }
0x3: {  	_ = 	snop  }
0x4: {  	_ = 	snop  }
0x5: {  	_ = 	snop  }
0x6: {  	_ = 	snop  }
0x7: {  	_ = 	snop  }
__scs_overlays_trampoline_lowered:
0x8: {  	[smem:$0x3FA8] =	sst s0  }
0x9: {  	[smem:$0x3FA9] =	sst s1  }
0xa: {  	[smem:$0x3FAA] =	sst s2  }
0xb: {  	[smem:$0x3FAB] =	sst s3  }
0xc: {  	[smem:$0x3FAC] =	sst s4  }
0xd: {  	[smem:$0x3FAD] =	sst s5  }
0xe: {  	[smem:$0x3FAE] =	sst s6  }
0xf: {  	[smem:$0x3FAF] =	sst s7  }
0x10: {  	[smem:$0x3FB0] =	sst s8  }
0x11: {  	[smem:$0x3FB1] =	sst s9;
	s0 =	simm.s32 @!p0 $0x0  }
0x12: {  	s1 =	sld [smem:$0x3F97];
	s0 =	simm.s32 @p0 $0x1  }
0x13: {  	[smem:$0x3FB2] =	sst s0;
	s0 =	simm.s32 @!p1 $0x0  }
0x14: {  	s2 =	sld [smem:$0x3F96];
	s0 =	simm.s32 @p1 $0x1  }
0x15: {  	[smem:$0x3FB3] =	sst s0;
	s0 =	simm.s32 @!p2 $0x0  }
0x16: {  	s3 =	sld [smem:$0x3FDB];
	s0 =	simm.s32 @p2 $0x1  }
0x17: {  	s4 =	simm.s32 $0x1BF5;
	[smem:$0x3FB5] =	sst s0  }
0x18: {  	s0 =	sld [smem:$0x3F98];
	_ =	swait.ge [sflag:s4], $0x0  }
0x19: {  	s7 =	sld [smem:$0x3F99]  }
0x1a: {  	s8 =	sadd.s32 $0xFFFFE003, lr  }
0x1b: {  	s9 =	sadd.s32 $0xFFFFFEF7, lr;
	s5 =	simm.s32 $0xFFFFFFFF;
	p2 =	slt.u32 s8, $0xFFFFF086  }
0x1c: {  	p1 =	slt.u32 s9, $0xF7A;
	s5 =	simm.s32 @!p2 $0x0  }
0x1d: {  	s5 =	simm.s32 @p1 $0x1;
	p0 =	seq.s32 s7, s2  }
0x1e: {  	s7 =	smul.u32 @!p0 $0xF7A, s2;
	p2 =	seq.s32 @!p0 s5, $0x0  }
0x1f: {  	s9 =	smul.u32 $0xF7A, s1;
	s8 =	simm.s32 @!p0 $0x1BF5;
	p2 =	por !p2, p0  }
0x20: {  	[sflag:s8] =	ssyncset.s32 @!p0 $0xFFFFF086;
	s6 =	sadd.s32 @!p0 s3, s7;
	s7 =	simm.s32 @!p0 $0x108  }
0x21: {  	s3 =	sadd.s32 s3, s9;
	s6 =	sadd.s32 @!p0 $0x88, s6;
	s7 =	simm.s32 @p2 $0x1082  }
0x22: {  	[simem:s7], [sflag:s8] =	dma.local @!p0 [hbm:s6], $0xF7A  }
0x23: {  	s9 =	sor.u32 $0xD0000000, s2;
	s6 =	simm.s32 $0x108;
	_ =	swait.ge @!p0 [sflag:s8], $0x0  }
0x24: {  	s3 =	sadd.s32 $0x88, s3;
	s6 =	simm.s32 @!p1 $0x1082;
	[sflag:s4] =	ssyncset.s32 $0xFFFFF086  }
0x25: {  	[simem:s6], [sflag:s4] =	dma.local [hbm:s3], $0xF7A  }
0x26: {  	[smem:$0x3F99] =	sst s1;
	(tag) =	ssettag s2;
	_ =	strace s9  }
0x27: {  	s1 =	sld [smem:$0x3FA9]  }
0x28: {  	s2 =	sld [smem:$0x3FAA]  }
0x29: {  	s4 =	sld [smem:$0x3FAC]  }
0x2a: {  	p0 =	seq.s32 s5, $0x0;
	s5 =	sld [smem:$0x3FAD]  }
0x2b: {  	s6 =	sld [smem:$0x3FAE]  }
0x2c: {  	s7 =	sld [smem:$0x3FAF]  }
0x2d: {  	s3 =	simm.s32 $0x108;
	s8 =	sld [smem:$0x3FB0]  }
0x2e: {  	s3 =	simm.s32 @!p0 $0x1082;
	s9 =	sld [smem:$0x3FB1]  }
0x2f: {  	lr =	sadd.s32 s0, s3;
	s0 =	sld [smem:$0x3FA8]  }
0x30: {  	s3 =	sld [smem:$0x3FAB]  }
0x31: {  	[smem:$0x3FB4] =	sst s10  }
0x32: {  	s10 =	sld [smem:$0x3FB2];
	_ =	sdelay $0x3  }
0x33: {  	p0 =	seq.s32 s10, $0x1;
	s10 =	sld [smem:$0x3FB4];
	_ =	sdelay $0x3  }
0x34: {  	[smem:$0x3FB4] =	sst s10  }
0x35: {  	s10 =	sld [smem:$0x3FB3];
	_ =	sdelay $0x3  }
0x36: {  	p1 =	seq.s32 s10, $0x1;
	s10 =	sld [smem:$0x3FB4];
	_ =	sdelay $0x3  }
0x37: {  	[smem:$0x3FB4] =	sst s10  }
0x38: {  	s10 =	sld [smem:$0x3FB5]  }
0x39: {  	_ = 	snop;
	(pc) =	sbr.ind lr, $3  }
0x3a: {  	_ = 	snop  }
0x3b: {  	_ = 	snop  }
0x3c: {  	p2 =	seq.s32 s10, $0x1;
	s10 =	sld [smem:$0x3FB4]  }
0x3d: {  	_ =	shalt  }
0x3e: {  	_ =	shalt  }
0x3f: {  	_ =	shalt  }
0x40: {  	_ =	shalt  }
0x41: {  	_ =	shalt  }
0x42: {  	_ =	shalt  }
0x43: {  	_ =	shalt  }
0x44: {  	_ =	shalt  }
0x45: {  	_ =	shalt  }
0x46: {  	_ =	shalt  }
0x47: {  	_ =	shalt  }
0x48: {  	_ =	shalt  }
0x49: {  	_ =	shalt  }
0x4a: {  	_ =	shalt  }
0x4b: {  	_ =	shalt  }
0x4c: {  	_ =	shalt  }
0x4d: {  	_ =	shalt  }
0x4e: {  	_ =	shalt  }
0x4f: {  	_ =	shalt  }
0x50: {  	_ =	shalt  }
0x51: {  	_ =	shalt  }
0x52: {  	_ =	shalt  }
0x53: {  	_ =	shalt  }
0x54: {  	_ =	shalt  }
0x55: {  	_ =	shalt  }
0x56: {  	_ =	shalt  }
0x57: {  	_ =	shalt  }
0x58: {  	_ =	shalt  }
0x59: {  	_ =	shalt  }
0x5a: {  	_ =	shalt  }
0x5b: {  	_ =	shalt  }
0x5c: {  	_ =	shalt  }
0x5d: {  	_ =	shalt  }
0x5e: {  	_ =	shalt  }
0x5f: {  	_ =	shalt  }
0x60: {  	_ =	shalt  }
0x61: {  	_ =	shalt  }
0x62: {  	_ =	shalt  }
0x63: {  	_ =	shalt  }
0x64: {  	_ =	shalt  }
0x65: {  	_ =	shalt  }
0x66: {  	_ =	shalt  }
0x67: {  	_ =	shalt  }
0x68: {  	_ =	shalt  }
0x69: {  	_ =	shalt  }
0x6a: {  	_ =	shalt  }
0x6b: {  	_ =	shalt  }
0x6c: {  	_ =	shalt  }
0x6d: {  	_ =	shalt  }
0x6e: {  	_ =	shalt  }
0x6f: {  	_ =	shalt  }
0x70: {  	_ =	shalt  }
0x71: {  	_ =	shalt  }
0x72: {  	_ =	shalt  }
0x73: {  	_ =	shalt  }
0x74: {  	_ =	shalt  }
0x75: {  	_ =	shalt  }
0x76: {  	_ =	shalt  }
0x77: {  	_ =	shalt  }
0x78: {  	_ =	shalt  }
0x79: {  	_ =	shalt  }
0x7a: {  	_ =	shalt  }
0x7b: {  	_ =	shalt  }
0x7c: {  	_ =	shalt  }
0x7d: {  	_ =	shalt  }
0x7e: {  	_ =	shalt  }
0x7f: {  	_ =	shalt  }
0x80: {  	_ =	shalt  }
0x81: {  	_ =	shalt  }
0x82: {  	_ =	shalt  }
0x83: {  	_ =	shalt  }
0x84: {  	_ =	shalt  }
0x85: {  	_ =	shalt  }
0x86: {  	_ =	shalt  }
0x87: {  	_ =	shalt  }
.Lfunc_end0:
.L_simem_size_0:
called_computation_lowered:
.L_overlay_start_0:
0x88: {  	s2 =	sld [smem:$0x3FD9]  }
0x89: {  	s3 =	sld [smem:$0x3FFE];
	_ =	sdelay $0x1  }
0x8a: {  	s1 =	srdreg.scid  }
0x8b: {  	s0 =	sand.u32 $0x1, s1  }
0x8c: {  	s16 =	sshll.u32 s0, $0xA;
	s2 =	sadd.s32 s3, s2  }
0x8d: {  	s2 =	sadd.s32 s2, s16  }
0x8e: {  	[smem:$0x3FC0] =	sst s2  }
0x8f: {  	_ = 	snop  }
0x90: {  	(tm) =	ssettm $0x1  }
0x91: {  	s17 =	sld [smem:$0x3FFB];
	_ =	sdelay $0x3  }
0x92: {  	_ =	strace s17  }
0x93: {  	s2 =	sld [smem:$0x3FFC];
	_ =	sdelay $0x3  }
0x94: {  	_ =	strace s2  }
0x95: {  	s2 =	sld [smem:$0x3FFD];
	_ =	sdelay $0x3  }
0x96: {  	_ =	strace s2  }
0x97: {  	_ =	strace $0x8FFFFFFF  }
0x98: {  	s18 =	sld [smem:$0x3FDB];
	_ =	sdelay $0x1  }
0x99: {  	s19 =	simm.s32 $_scs_section_size  }
0x9a: {  	s4 =	simm.s32 $_size__tile_overlayer_lowered;
	s5 =	simm.s32 $_tile_overlayer_lowered  }
0x9b: {  	s22 =	simm.s32 $0x1BFF;
	s21 =	sshll.u32 s5, $0x1;
	s2 =	sadd.s32 s19, s18  }
0x9c: {  	s6 =	simm.s32 $0x0;
	s20 =	sshll.u32 s4, $0x1;
	s4 =	sadd.s32 s21, s2  }
0x9d: {  	[timem:s6], [sflag:s22] =	dma.local [hbm:s4], s20  }
0x9e: {  	_ =	swait.ge [sflag:s22], s20  }
0x9f: {  	s3 =	ssub.s32 $0x0, s20;
	[sflag:s22] =	ssyncset.done $0x0  }
0xa0: {  	[sflag:s22] =	ssyncadd.s32 s3;
	_ =	sdelay $0x1  }
0xa1: {  	s23 =	simm.s32 $0x1B8B  }
0xa2: {  	_ =	swait.ge [sflag:s23], $0x1  }
0xa3: {  	[sflag:s23] =	ssyncset.done $0x0  }
0xa4: {  	s25 =	simm.s32 $0x1B8E;
	s24 =	sld [smem:$0x3FFE];
	[sflag:s23] =	ssyncadd.s32 $0xFFFFFFFF  }
0xa5: {  	s26 =	simm.s32 $execute0_lowered;
	[smem:$0x3FD2] =	sst s25  }
0xa6: {  	s4 =	sshll.u32 s26, $0x1;
	_ =	strace $0x80000046;
	[dreg:$0x1] =	wrdreg $0xFFFFFFFF  }
0xa7: {  	s28 =	simm.s32 $_size_execute0_lowered;
	s2 =	sadd.s32 s2, s4;
	[dreg:$0x0] =	wrdreg $0x0  }
0xa8: {  	s4 =	sshll.u32 s28, $0x1;
	[dreg:$0x2] =	wrdreg s2  }
0xa9: {  	[dreg:$0x3] =	wrdreg s4  }
0xaa: {  	[dreg:$0x4] =	wrdreg $0xC0  }
0xab: {  	_ =	task [dreg:s6], $0x5FFFF  }
0xac: {  	[dreg:$0x1] =	wrdreg $0xFFFFFFFF  }
0xad: {  	[dreg:$0x0] =	wrdreg $0x60  }
0xae: {  	[dreg:$0x2] =	wrdreg s24  }
0xaf: {  	[dreg:$0x3] =	wrdreg $0x9  }
0xb0: {  	_ =	task.clear_ibuf [dreg:s6], $0x4FFFF;
	_ =	strace $0x90000046  }
0xb1: {  	s29 =	simm.s32 $0x9;
	_ =	strace $0x80000048  }
0xb2: {  	_ =	swait.ge [sflag:s29], $0x1  }
0xb3: {  	[sflag:s29] =	ssyncadd.s32 $0xFFFFFFFF  }
0xb4: {  	_ =	strace $0x90000048  }
0xb5: {  	_ =	sfence  }
0xb6: {  	s30 =	sld [smem:$0x0];
	_ =	sdelay $0x2  }
0xb7: {  	s31 =	sshll.u32 s1, $0xD;
	s1 =	sshrl.u32 s1, $0x2  }
0xb8: {  	s3 =	sand.u32 $0x4000, s31;
	s1 =	sadd.s32 s1, s30  }
0xb9: {  	s0 =	sor.u32 s3, s0;
	s1 =	sshll.u32 s1, $0x11  }
0xba: {  	s0 =	sor.u32 s1, s0  }
0xbb: {  	s0 =	sadd.s32 $0x8F2B, s0  }
0xbc: {  	[sflag:s0] =	ssyncadd.remote.s32 $0x1  }
0xbd: {  	_ =	sfence.sel $0xFFFF  }
0xbe: {  	[dreg:$0x0] =	wrdreg $0xFFFFFFFF;
	(pc) =	sbr.abs _section_cstart, $3  }
0xbf: {  	[dreg:$0x1] =	wrdreg $0xFFFFFFFF  }
0xc0: {  	_ =	task.clear_ibuf [dreg:s6], $0x2FFFF;
	_ =	strace $0x9FFFFFFF  }
0xc1: {  	(tm) =	ssettm $0x7FFFFFFF  }
tec
execute0_lowered:
.L_overlay_start_1:
0x0: {  	(tag) =	ssettag $0x1  }
0x1: {  	s5 =	rddreg [dreg:$0x0];
	s1 =	simm.s32 $0x0;
	s4 =	srdreg.scid  }
0x2: {  	s0 =	stileid.u32;
	[smem:$0x7FF] =	sst s1;
	s3 =	sadd.s32 $0x1200, s5  }
0x3: {  	s6 =	sand.u32 $0x1, s4;
	s7 =	sshll.u32 s0, $0xF;
	s2 =	sadd.s32 $0xF43600, s5  }
0x4: {  	s26 =	sshrl.u32 s0, $0x1;
	s10 =	sshll.u32 s0, $0xB;
	p0 =	slt.u32 s0, $0x4  }
0x5: {  	_ =	strace $0x80000047;
	s8 =	sshll.u32 s6, $0xE;
	s9 =	ssub.s32 $0x2, s6  }
0x6: {  	[dreg:$0x3] =	wrdreg s2;
	s28 =	sadd.s32 $0xFFFFFFFE, s26;
	s6 =	sshll.u32 s6, $0xA  }
.Ltmp0:
0x7: {  	s11 =	sshll.u32 s26, $0xC;
	s2 =	simm.s32 $0x0;
	(pc) =	sbr.rel .LBB2_1-.Ltmp0, $4  }
0x8: {  	s7 =	sor.u32 s8, s7;
	s24 =	sshrl.u32 s9, $0x1;
	s29 =	sor.u32 s6, s10  }
0x9: {  	v0 =	vmov s28;
	s8 =	simm.s32 $0x2;
	s25 =	ssub.s32 s9, s24;
	s31 =	ssub.s32 s29, s11  }
0xa: {  	s5 =	sadd.s32 s7, s5;
	v1 =	vadd.s32 $0x2000, v0;
	s30 =	smax.u32 s25, $0x1;
	[dreg:$0x5] =	wrdreg s31  }
0xb: {  	v2 =	vlaneseq.u32;
	v0 =	vmov s11;
	s9 =	simm.s32 $0x8400;
	s5 =	sadd.s32 $0xF44600, s5;
	v1 =	vbroadcast v1, $0x0;
	[dreg:$0x4] =	wrdreg s30  }
.LBB2_9:
0xc: {  	s2 =	rddreg [dreg:$0x6]  }
0xd: {  	s0 =	rddreg [dreg:$0x4];
	s2 =	sadd.s32 $0x1, s2  }
0xe: {  	p1 =	sne.s32 s2, s0  }
.Ltmp1:
0xf: {  	_ = 	snop;
	(pc) =	sbr.rel @!p1 .LBB2_10-.Ltmp1, $1  }
0x10: {  	_ =	sdelay $0x3  }
.LBB2_1:
0x11: {  	s0 =	rddreg [dreg:$0x5]  }
0x12: {  	v3 =	vor.u32 s0, v2  }
0x13: {  	v4 =	vmul.u32 $0x6, v3;
	_ =	sdelay $0x1  }
0x14: {  	[dreg:$0x6] =	wrdreg s2;
	v3 =	vadd.s32 v0, v3;
	v4 =	vadd.s32 v1, v4  }
0x15: {  	s31 =	rddreg [dreg:$0x3];
	s11 =	sadd.s32 $0x10, s0;
	v3 =	vpsel p0, v3, v4  }
0x16: {  	[tilespmem:s1], [sflag:$0x2] =	stream.linear.gather [hbm4b:s31+s1], $0x8000, $0x38;
	[tilespmem:$0x18400] =	vst v63  }
0x17: {  	_ =	swait.ge [sflag:s8], $0x8000;
	v4 =	vor.u32 s11, v2  }
0x18: {  	[sflag:s8] =	ssyncset.done $0x0;
	v5 =	vmul.u32 $0x6, v4  }
0x19: {  	[sflag:s8] =	ssyncadd.s32 $0xFFFF8000  }
0x1a: {  	v4 =	vadd.s32 v0, v4;
	v5 =	vadd.s32 v1, v5;
	v3 =	vld.idx.msk [tilespmem:v3+s1+$0x0], $0xffff  }
0x1b: {  	v4 =	vpsel p0, v4, v5;
	_ =	sdelay $0x1  }
0x1c: {  	s12 =	simm.s32 $0x40;
	s14 =	sadd.s32 $0x10, s11  }
0x1d: {  	s13 =	simm.s32 $0x80;
	s15 =	simm.s32 $0xC0;
	s16 =	simm.s32 $0x0;
	v5 =	vor.u32 s14, v2  }
.LBB2_2:
0x1e: {  	p1 =	sne.s32 s15, $0xFC0;
	v6 =	vmul.u32 $0x6, v5;
	s11 =	simm.s32 $0x0;
	[tilespmem:s16+$0x8000] =	vst v3;
	s17 =	smov.u32 s13  }
0x1f: {  	s13 =	smov.u32 s15;
	v3 =	vld.idx.msk [tilespmem:v4+s11+$0x0], $0xffff  }
.Ltmp2:
0x20: {  	v4 =	vadd.s32 v0, v5;
	v5 =	vadd.s32 v1, v6;
	(pc) =	sbr.rel @p1 .LBB2_2-.Ltmp2, $3  }
0x21: {  	v4 =	vpsel p0, v4, v5;
	_ =	sdelay $0x1  }
0x22: {  	s14 =	sadd.s32 $0x10, s14  }
0x23: {  	s15 =	sadd.s32 $0x40, s15;
	s16 =	sshra.s32 s12, $0x2;
	s12 =	smov.u32 s17;
	v5 =	vor.u32 s14, v2  }
0x24: {  	_ =	sdelay $0x1  }
0x25: {  	v6 =	vmul.u32 $0x6, v5  }
0x26: {  	[tilespmem:s16+$0x8000] =	vst v3  }
0x27: {  	v62 =	vadd.s32 v0, v5;
	v3 =	vld.idx.msk [tilespmem:v4+s11+$0x0], $0xffff;
	v63 =	vadd.s32 v1, v6  }
0x28: {  	v4 =	vpsel p0, v62, v63;
	_ =	sdelay $0x2  }
0x29: {  	s12 =	sshra.s32 s12, $0x2  }
0x2a: {  	[tilespmem:s12+$0x8000] =	vst v3  }
0x2b: {  	v3 =	vld.idx.msk [tilespmem:v4+s11+$0x0], $0xffff;
	_ =	sdelay $0x3  }
0x2c: {  	s31 =	sshra.s32 s13, $0x2  }
0x2d: {  	p1 =	por $0x1, $0x1;
	s12 =	simm.s32 $0x0;
	[tilespmem:s31+$0x8000] =	vst v3  }
.LBB2_4:
0x2e: {  	s13 =	sshll.u32 s12, $0x9;
	p3 =	por $0x1, $0x1  }
.Ltmp3:
0x2f: {  	s13 =	sand.u32 $0x3FFFFE00, s13;
	(pc) =	sbr.rel @!p3 .LBB2_5-.Ltmp3, $4  }
0x30: {  	s13 =	sadd.s32 $0x8000, s13  }
0x31: {  	[dreg:$0x2] =	wrdreg s13  }
0x32: {  	p2 =	por p1, p1;
	s15 =	sand.u32 $0x180, s11;
	s14 =	rddreg [dreg:$0x2]  }
0x33: {  	p1 =	por $0x0, $0x0;
	s13 =	simm.s32 $0x2000;
	s17 =	sadd.s32 s15, s14  }
0x34: {  	s14 =	sand.u32 $0x70, s11  }
0x35: {  	s14 =	sadd.s32 s14, s17  }
0x36: {  	v3 =	vld [tilespmem:s14+$0x0];
	_ =	sdelay $0x4  }
0x37: {  	v3 =	vshll.u32 v3, $0x4  }
0x38: {  	(v2sf) =	vpush v3, $0x0  }
0x39: {  	(v2sf) =	vpush v3, $0x1  }
0x3a: {  	(v2sf) =	vpush v3, $0x2;
	_ =	sdelay $0x1  }
0x3b: {  	(v2sf) =	vpush v3, $0x3;
	_ =	sdelay $0x1  }
0x3c: {  	(v2sf) =	vpush v3, $0x4;
	_ =	sdelay $0x1  }
0x3d: {  	(v2sf) =	vpush v3, $0x5  }
0x3e: {  	p4 =	por $0x1, $0x1;
	s15 =	simm.s32 $0x4000  }
0x3f: {  	s20 =	rddreg [dreg:$0x2];
	s16 =	simm.s32 $0x0;
	s21 =	simm.s32 $0x8600;
	(v2sf) =	vpush v3, $0x6  }
0x40: {  	s22 =	simm.s32 $0x8880;
	s19 =	simm.s32 $0x8900;
	s23 =	simm.s32 $0x8400  }
0x41: {  	s24 =	simm.s32 $0x8700;
	s25 =	simm.s32 $0x8780;
	s26 =	simm.s32 $0x8680;
	(v2sf) =	vpush v3, $0x7  }
0x42: {  	s28 =	simm.s32 $0x8800;
	s18 =	simm.s32 $0x8B80;
	s6 =	simm.s32 $0x8580  }
0x43: {  	s31 =	simm.s32 $0x8480;
	s0 =	simm.s32 $0x8500;
	s14 =	simm.s32 $0x10;
	(v2sf) =	vpush v3, $0x8  }
0x44: {  	p3 =	por $0x1, $0x1;
	s4 =	sand.u32 $0x180, s14;
	s29 =	spop (v2sf)  }
0x45: {  	s17 =	sadd.s32 s4, s20;
	s30 =	spop (v2sf);
	s29 =	sand.u32 $0x1FFFFFF0, s29  }
0x46: {  	(v2sf) =	vpush v3, $0x9;
	s30 =	sand.u32 $0x1FFFFFF0, s30;
	s2 =	spop (v2sf);
	s29 =	sadd.s32 s3, s29  }
0x47: {  	[tilespmem:s23], [sflag:$0x1] =	stream.linear.gather [hbm4b:s29+s1], $0x80, $0x38;
	[tilespmem:$0x18400] =	vst v63  }
0x48: {  	(v2sf) =	vpush v3, $0xA;
	s2 =	sand.u32 $0x1FFFFFF0, s2;
	s7 =	spop (v2sf);
	s10 =	sadd.s32 s3, s30  }
0x49: {  	[tilespmem:s31], [sflag:$0x1] =	stream.linear.gather [hbm4b:s10+s1], $0x80, $0x38;
	[tilespmem:$0x18400] =	vst v63  }
0x4a: {  	(v2sf) =	vpush v3, $0xB;
	s23 =	sand.u32 $0x1FFFFFF0, s7;
	s30 =	spop (v2sf);
	s2 =	sadd.s32 s3, s2  }
0x4b: {  	[tilespmem:s0], [sflag:$0x1] =	stream.linear.gather [hbm4b:s2+s1], $0x80, $0x38;
	[tilespmem:$0x18400] =	vst v63  }
0x4c: {  	s31 =	sand.u32 $0x1FFFFFF0, s30;
	s4 =	spop (v2sf);
	s23 =	sadd.s32 s3, s23  }
0x4d: {  	[tilespmem:s6], [sflag:$0x1] =	stream.linear.gather [hbm4b:s23+s1], $0x80, $0x38;
	[tilespmem:$0x18400] =	vst v63  }
0x4e: {  	s2 =	sand.u32 $0x1FFFFFF0, s4;
	s0 =	sadd.s32 s3, s31;
	s6 =	spop (v2sf)  }
0x4f: {  	[tilespmem:s21], [sflag:$0x1] =	stream.linear.gather [hbm4b:s0+s1], $0x80, $0x38;
	[tilespmem:$0x18400] =	vst v63  }
0x50: {  	s2 =	sadd.s32 s3, s2;
	s7 =	sand.u32 $0x1FFFFFF0, s6;
	s10 =	spop (v2sf)  }
0x51: {  	[tilespmem:s26], [sflag:$0x1] =	stream.linear.gather [hbm4b:s2+s1], $0x80, $0x38;
	[tilespmem:$0x18400] =	vst v63  }
0x52: {  	s21 =	sand.u32 $0x1FFFFFF0, s10;
	s23 =	spop (v2sf);
	s0 =	sadd.s32 s3, s7  }
0x53: {  	[tilespmem:s24], [sflag:$0x1] =	stream.linear.gather [hbm4b:s0+s1], $0x80, $0x38;
	[tilespmem:$0x18400] =	vst v63  }
0x54: {  	s20 =	simm.s32 $0x8A80;
	s2 =	sadd.s32 s3, s21;
	s24 =	sand.u32 $0x1FFFFFF0, s23  }
0x55: {  	s21 =	simm.s32 $0x8980;
	s26 =	spop (v2sf);
	s0 =	sadd.s32 s3, s24  }
0x56: {  	[tilespmem:s25], [sflag:$0x1] =	stream.linear.gather [hbm4b:s2+s1], $0x80, $0x38;
	[tilespmem:$0x18400] =	vst v63  }
.Ltmp4:
0x57: {  	s29 =	sand.u32 $0x1FFFFFF0, s26;
	s30 =	spop (v2sf);
	(pc) =	sbr.rel @!p4 .LBB2_8-.Ltmp4, $4  }
0x58: {  	(v2sf) =	vpush v3, $0xC;
	[tilespmem:s28], [sflag:$0x1] =	stream.linear.gather [hbm4b:s0+s1], $0x80, $0x38;
	[tilespmem:$0x18400] =	vst v63  }
0x59: {  	(v2sf) =	vpush v3, $0xD;
	s2 =	sadd.s32 s3, s29;
	s31 =	spop (v2sf);
	s0 =	sand.u32 $0x1FFFFFF0, s30  }
0x5a: {  	(v2sf) =	vpush v3, $0xE;
	[tilespmem:s22], [sflag:$0x1] =	stream.linear.gather [hbm4b:s2+s1], $0x80, $0x38;
	[tilespmem:$0x18400] =	vst v63  }
0x5b: {  	(v2sf) =	vpush v3, $0xF;
	s26 =	sand.u32 $0x1FFFFFF0, s31;
	s24 =	sadd.s32 s3, s0;
	s22 =	simm.s32 $0x8A00  }
.LBB2_7:
0x5c: {  	_ =	sdelay $0x7  }
0x5d: {  	[tilespmem:s19], [sflag:$0x1] =	stream.linear.gather [hbm4b:s24+s1], $0x80, $0x38;
	[tilespmem:$0x18400] =	vst v63  }
0x5e: {  	s10 =	sadd.s32 s3, s26  }
0x5f: {  	[tilespmem:s21], [sflag:$0x1] =	stream.linear.gather [hbm4b:s10+s1], $0x80, $0x38;
	[tilespmem:$0x18400] =	vst v63  }
0x60: {  	s2 =	spop (v2sf)  }
0x61: {  	s0 =	sand.u32 $0x70, s14;
	s2 =	sand.u32 $0x1FFFFFF0, s2;
	s23 =	spop (v2sf)  }
0x62: {  	s2 =	sadd.s32 s3, s2;
	s21 =	sand.u32 $0x1FFFFFF0, s23;
	s23 =	spop (v2sf)  }
0x63: {  	[tilespmem:s22], [sflag:$0x1] =	stream.linear.gather [hbm4b:s2+s1], $0x80, $0x38;
	[tilespmem:$0x18400] =	vst v63  }
0x64: {  	s24 =	sadd.s32 s3, s21;
	s26 =	sand.u32 $0x1FFFFFF0, s23;
	s28 =	spop (v2sf)  }
0x65: {  	[tilespmem:s20], [sflag:$0x1] =	stream.linear.gather [hbm4b:s24+s1], $0x80, $0x38;
	[tilespmem:$0x18400] =	vst v63  }
0x66: {  	s29 =	sadd.s32 $0x8B00, s16;
	s30 =	sadd.s32 s3, s26;
	s31 =	sand.u32 $0x1FFFFFF0, s28  }
0x67: {  	[tilespmem:s29], [sflag:$0x1] =	stream.linear.gather [hbm4b:s30+s1], $0x80, $0x38;
	[tilespmem:$0x18400] =	vst v63  }
0x68: {  	s0 =	sadd.s32 s0, s17;
	s4 =	sadd.s32 s3, s31  }
0x69: {  	[tilespmem:s18], [sflag:$0x1] =	stream.linear.gather [hbm4b:s4+s1], $0x80, $0x38;
	[tilespmem:$0x18400] =	vst v63  }
0x6a: {  	v3 =	vld [tilespmem:s0+$0x0];
	_ =	sdelay $0x4  }
0x6b: {  	v3 =	vshll.u32 v3, $0x4  }
0x6c: {  	(v2sf) =	vpush v3, $0x0  }
0x6d: {  	(v2sf) =	vpush v3, $0x1  }
0x6e: {  	(v2sf) =	vpush v3, $0x2;
	_ =	sdelay $0x1  }
0x6f: {  	(v2sf) =	vpush v3, $0x3;
	_ =	sdelay $0x1  }
0x70: {  	(v2sf) =	vpush v3, $0x4;
	_ =	sdelay $0x1  }
0x71: {  	p4 =	sne.s32 s15, $0x3E000;
	s25 =	smov.u32 s15;
	s15 =	sadd.s32 $0x2000, s15;
	(v2sf) =	vpush v3, $0x5  }
0x72: {  	s14 =	sadd.s32 $0x10, s14;
	s7 =	rddreg [dreg:$0x2];
	s16 =	sshra.s32 s13, $0x2  }
0x73: {  	s6 =	sand.u32 $0x180, s14;
	s19 =	sadd.s32 $0x8900, s16;
	s13 =	smov.u32 s25;
	(v2sf) =	vpush v3, $0x6  }
0x74: {  	s17 =	sadd.s32 s6, s7;
	s6 =	sadd.s32 $0x8500, s16;
	s23 =	sadd.s32 $0x8880, s16  }
0x75: {  	s21 =	sadd.s32 $0x8980, s16;
	s2 =	sadd.s32 $0x8480, s16;
	s22 =	sadd.s32 $0x8A00, s16;
	(v2sf) =	vpush v3, $0x7  }
0x76: {  	s28 =	sadd.s32 $0x8700, s16;
	s26 =	sadd.s32 $0x8780, s16;
	s31 =	sadd.s32 $0x8400, s16  }
0x77: {  	s24 =	sadd.s32 $0x8800, s16;
	s20 =	sadd.s32 $0x8A80, s16;
	s29 =	sadd.s32 $0x8600, s16;
	(v2sf) =	vpush v3, $0x8  }
0x78: {  	s30 =	sadd.s32 $0x8680, s16;
	s18 =	sadd.s32 $0x8B80, s16;
	s10 =	spop (v2sf)  }
0x79: {  	s0 =	sadd.s32 $0x8580, s16;
	(v2sf) =	vpush v3, $0x9;
	s25 =	sand.u32 $0x1FFFFFF0, s10;
	s4 =	spop (v2sf)  }
0x7a: {  	s4 =	sand.u32 $0x1FFFFFF0, s4;
	s7 =	spop (v2sf);
	s25 =	sadd.s32 s3, s25  }
0x7b: {  	(v2sf) =	vpush v3, $0xA;
	[tilespmem:s31], [sflag:$0x1] =	stream.linear.gather [hbm4b:s25+s1], $0x80, $0x38;
	[tilespmem:$0x18400] =	vst v63  }
0x7c: {  	s7 =	sand.u32 $0x1FFFFFF0, s7;
	s10 =	spop (v2sf);
	(v2sf) =	vpush v3, $0xB;
	s4 =	sadd.s32 s3, s4  }
0x7d: {  	[tilespmem:s2], [sflag:$0x1] =	stream.linear.gather [hbm4b:s4+s1], $0x80, $0x38;
	[tilespmem:$0x18400] =	vst v63  }
0x7e: {  	s10 =	sand.u32 $0x1FFFFFF0, s10;
	s31 =	spop (v2sf);
	s7 =	sadd.s32 s3, s7  }
0x7f: {  	[tilespmem:s6], [sflag:$0x1] =	stream.linear.gather [hbm4b:s7+s1], $0x80, $0x38;
	[tilespmem:$0x18400] =	vst v63  }
0x80: {  	s4 =	sand.u32 $0x1FFFFFF0, s31;
	s25 =	spop (v2sf);
	s31 =	sadd.s32 s3, s10  }
0x81: {  	[tilespmem:s0], [sflag:$0x1] =	stream.linear.gather [hbm4b:s31+s1], $0x80, $0x38;
	[tilespmem:$0x18400] =	vst v63  }
0x82: {  	s10 =	spop (v2sf);
	s6 =	sand.u32 $0x1FFFFFF0, s25;
	s25 =	sadd.s32 s3, s4  }
0x83: {  	[tilespmem:s29], [sflag:$0x1] =	stream.linear.gather [hbm4b:s25+s1], $0x80, $0x38;
	[tilespmem:$0x18400] =	vst v63  }
0x84: {  	s7 =	spop (v2sf);
	s31 =	sand.u32 $0x1FFFFFF0, s10;
	s10 =	sadd.s32 s3, s6  }
0x85: {  	[tilespmem:s30], [sflag:$0x1] =	stream.linear.gather [hbm4b:s10+s1], $0x80, $0x38;
	[tilespmem:$0x18400] =	vst v63  }
0x86: {  	s4 =	sand.u32 $0x1FFFFFF0, s7;
	s25 =	spop (v2sf);
	s29 =	sadd.s32 s3, s31  }
0x87: {  	[tilespmem:s28], [sflag:$0x1] =	stream.linear.gather [hbm4b:s29+s1], $0x80, $0x38;
	[tilespmem:$0x18400] =	vst v63  }
0x88: {  	s7 =	sadd.s32 s3, s4;
	s30 =	sand.u32 $0x1FFFFFF0, s25;
	s31 =	spop (v2sf)  }
0x89: {  	[tilespmem:s26], [sflag:$0x1] =	stream.linear.gather [hbm4b:s7+s1], $0x80, $0x38;
	[tilespmem:$0x18400] =	vst v63  }
.Ltmp5:
0x8a: {  	s28 =	sadd.s32 s3, s30;
	s25 =	spop (v2sf);
	(pc) =	sbr.rel @p4 .LBB2_7-.Ltmp5, $4  }
0x8b: {  	(v2sf) =	vpush v3, $0xC;
	s10 =	sand.u32 $0x1FFFFFF0, s31;
	s29 =	sand.u32 $0x1FFFFFF0, s25;
	s30 =	spop (v2sf)  }
0x8c: {  	(v2sf) =	vpush v3, $0xD;
	[tilespmem:s24], [sflag:$0x1] =	stream.linear.gather [hbm4b:s28+s1], $0x80, $0x38;
	[tilespmem:$0x18400] =	vst v63  }
0x8d: {  	(v2sf) =	vpush v3, $0xE;
	s31 =	sadd.s32 s3, s10;
	s24 =	sadd.s32 s3, s29;
	s26 =	sand.u32 $0x1FFFFFF0, s30  }
0x8e: {  	(v2sf) =	vpush v3, $0xF;
	[tilespmem:s23], [sflag:$0x1] =	stream.linear.gather [hbm4b:s31+s1], $0x80, $0x38;
	[tilespmem:$0x18400] =	vst v63  }
.LBB2_8:
0x8f: {  	_ =	sdelay $0x7  }
0x90: {  	[tilespmem:s19], [sflag:$0x1] =	stream.linear.gather @p3 [hbm4b:s24+s1], $0x80, $0x38;
	[tilespmem:$0x18400] =	vst v63  }
0x91: {  	s4 =	sadd.s32 @p3 s3, s26  }
0x92: {  	[tilespmem:s21], [sflag:$0x1] =	stream.linear.gather @p3 [hbm4b:s4+s1], $0x80, $0x38;
	[tilespmem:$0x18400] =	vst v63  }
0x93: {  	s2 =	spop @p3 (v2sf)  }
0x94: {  	s0 =	sand.u32 $0x70, s14;
	s2 =	sand.u32 @p3 $0x1FFFFFF0, s2;
	s6 =	spop @p3 (v2sf)  }
0x95: {  	s2 =	sadd.s32 @p3 s3, s2;
	s4 =	sand.u32 @p3 $0x1FFFFFF0, s6;
	s6 =	spop @p3 (v2sf)  }
0x96: {  	[tilespmem:s22], [sflag:$0x1] =	stream.linear.gather @p3 [hbm4b:s2+s1], $0x80, $0x38;
	[tilespmem:$0x18400] =	vst v63  }
0x97: {  	s2 =	sadd.s32 @p3 s3, s4;
	s4 =	sand.u32 @p3 $0x1FFFFFF0, s6;
	s6 =	spop @p3 (v2sf)  }
0x98: {  	[tilespmem:s20], [sflag:$0x1] =	stream.linear.gather @p3 [hbm4b:s2+s1], $0x80, $0x38;
	[tilespmem:$0x18400] =	vst v63  }
0x99: {  	s4 =	sadd.s32 @p3 s3, s4;
	s6 =	sand.u32 @p3 $0x1FFFFFF0, s6;
	s2 =	sadd.s32 @p3 $0x8B00, s16  }
0x9a: {  	[tilespmem:s2], [sflag:$0x1] =	stream.linear.gather @p3 [hbm4b:s4+s1], $0x80, $0x38;
	[tilespmem:$0x18400] =	vst v63  }
0x9b: {  	s0 =	sadd.s32 s0, s17;
	s2 =	sadd.s32 @p3 s3, s6  }
0x9c: {  	[tilespmem:s18], [sflag:$0x1] =	stream.linear.gather @p3 [hbm4b:s2+s1], $0x80, $0x38;
	[tilespmem:$0x18400] =	vst v63  }
0x9d: {  	v3 =	vld [tilespmem:s0+$0x0];
	_ =	sdelay $0x4  }
0x9e: {  	v3 =	vshll.u32 v3, $0x4  }
0x9f: {  	(v2sf) =	vpush v3, $0x0  }
0xa0: {  	(v2sf) =	vpush v3, $0x1  }
0xa1: {  	(v2sf) =	vpush v3, $0x2;
	_ =	sdelay $0x1  }
0xa2: {  	(v2sf) =	vpush v3, $0x3;
	_ =	sdelay $0x1  }
0xa3: {  	(v2sf) =	vpush v3, $0x4;
	_ =	sdelay $0x1  }
0xa4: {  	(v2sf) =	vpush v3, $0x5;
	_ =	sdelay $0x1  }
0xa5: {  	s13 =	sshra.s32 s13, $0x2;
	(v2sf) =	vpush v3, $0x6  }
0xa6: {  	s14 =	sadd.s32 $0x8900, s13;
	s29 =	sadd.s32 $0x8400, s13  }
0xa7: {  	s7 =	sadd.s32 $0x8680, s13;
	s10 =	sadd.s32 $0x8800, s13;
	s17 =	sadd.s32 $0x8980, s13;
	(v2sf) =	vpush v3, $0x7  }
0xa8: {  	s31 =	sadd.s32 $0x8480, s13;
	s15 =	sadd.s32 $0x8A80, s13;
	s23 =	sadd.s32 $0x8500, s13  }
0xa9: {  	s22 =	sadd.s32 $0x8A00, s13;
	s16 =	sadd.s32 $0x8880, s13;
	s4 =	sadd.s32 $0x8700, s13;
	(v2sf) =	vpush v3, $0x8  }
0xaa: {  	s6 =	sadd.s32 $0x8780, s13;
	s18 =	sadd.s32 $0x8580, s13;
	s30 =	spop (v2sf)  }
0xab: {  	s0 =	sadd.s32 $0x8600, s13;
	(v2sf) =	vpush v3, $0x9;
	s24 =	spop (v2sf);
	s19 =	sand.u32 $0x1FFFFFF0, s30  }
0xac: {  	s21 =	sand.u32 $0x1FFFFFF0, s24;
	s25 =	spop (v2sf);
	s19 =	sadd.s32 s3, s19  }
0xad: {  	(v2sf) =	vpush v3, $0xA;
	[tilespmem:s29], [sflag:$0x1] =	stream.linear.gather [hbm4b:s19+s1], $0x80, $0x38;
	[tilespmem:$0x18400] =	vst v63  }
0xae: {  	s26 =	sand.u32 $0x1FFFFFF0, s25;
	s28 =	spop (v2sf);
	s21 =	sadd.s32 s3, s21  }
0xaf: {  	(v2sf) =	vpush v3, $0xB;
	[tilespmem:s31], [sflag:$0x1] =	stream.linear.gather [hbm4b:s21+s1], $0x80, $0x38;
	[tilespmem:$0x18400] =	vst v63  }
0xb0: {  	s19 =	sand.u32 $0x1FFFFFF0, s28;
	s29 =	spop (v2sf);
	s2 =	sadd.s32 s3, s26  }
0xb1: {  	(v2sf) =	vpush v3, $0xC;
	[tilespmem:s23], [sflag:$0x1] =	stream.linear.gather [hbm4b:s2+s1], $0x80, $0x38;
	[tilespmem:$0x18400] =	vst v63  }
0xb2: {  	s30 =	sand.u32 $0x1FFFFFF0, s29;
	s31 =	spop (v2sf);
	s19 =	sadd.s32 s3, s19  }
0xb3: {  	(v2sf) =	vpush v3, $0xD;
	[tilespmem:s18], [sflag:$0x1] =	stream.linear.gather [hbm4b:s19+s1], $0x80, $0x38;
	[tilespmem:$0x18400] =	vst v63  }
0xb4: {  	s21 =	sand.u32 $0x1FFFFFF0, s31;
	s23 =	spop (v2sf);
	s2 =	sadd.s32 s3, s30  }
0xb5: {  	(v2sf) =	vpush v3, $0xE;
	[tilespmem:s0], [sflag:$0x1] =	stream.linear.gather [hbm4b:s2+s1], $0x80, $0x38;
	[tilespmem:$0x18400] =	vst v63  }
0xb6: {  	s24 =	sand.u32 $0x1FFFFFF0, s23;
	s25 =	spop (v2sf);
	s18 =	sadd.s32 s3, s21  }
0xb7: {  	(v2sf) =	vpush v3, $0xF;
	[tilespmem:s7], [sflag:$0x1] =	stream.linear.gather [hbm4b:s18+s1], $0x80, $0x38;
	[tilespmem:$0x18400] =	vst v63  }
0xb8: {  	s26 =	spop (v2sf);
	s2 =	sand.u32 $0x1FFFFFF0, s25;
	s0 =	sadd.s32 s3, s24  }
0xb9: {  	[tilespmem:s4], [sflag:$0x1] =	stream.linear.gather [hbm4b:s0+s1], $0x80, $0x38;
	[tilespmem:$0x18400] =	vst v63  }
0xba: {  	s28 =	sand.u32 $0x1FFFFFF0, s26;
	s2 =	sadd.s32 s3, s2;
	s29 =	spop (v2sf)  }
0xbb: {  	[tilespmem:s6], [sflag:$0x1] =	stream.linear.gather [hbm4b:s2+s1], $0x80, $0x38;
	[tilespmem:$0x18400] =	vst v63  }
0xbc: {  	s0 =	sadd.s32 s3, s28;
	s30 =	sand.u32 $0x1FFFFFF0, s29;
	s31 =	spop (v2sf)  }
0xbd: {  	[tilespmem:s10], [sflag:$0x1] =	stream.linear.gather [hbm4b:s0+s1], $0x80, $0x38;
	[tilespmem:$0x18400] =	vst v63  }
0xbe: {  	s4 =	sand.u32 $0x1FFFFFF0, s31;
	s6 =	spop (v2sf);
	s2 =	sadd.s32 s3, s30  }
0xbf: {  	[tilespmem:s16], [sflag:$0x1] =	stream.linear.gather [hbm4b:s2+s1], $0x80, $0x38;
	[tilespmem:$0x18400] =	vst v63  }
0xc0: {  	s7 =	sand.u32 $0x1FFFFFF0, s6;
	s0 =	sadd.s32 s3, s4;
	s10 =	spop (v2sf)  }
0xc1: {  	[tilespmem:s14], [sflag:$0x1] =	stream.linear.gather [hbm4b:s0+s1], $0x80, $0x38;
	[tilespmem:$0x18400] =	vst v63  }
0xc2: {  	s18 =	spop (v2sf);
	s16 =	sand.u32 $0x1FFFFFF0, s10;
	s14 =	sadd.s32 s3, s7  }
0xc3: {  	[tilespmem:s17], [sflag:$0x1] =	stream.linear.gather [hbm4b:s14+s1], $0x80, $0x38;
	[tilespmem:$0x18400] =	vst v63  }
0xc4: {  	s20 =	sand.u32 $0x1FFFFFF0, s18;
	s21 =	spop (v2sf);
	s19 =	sadd.s32 s3, s16  }
0xc5: {  	[tilespmem:s22], [sflag:$0x1] =	stream.linear.gather [hbm4b:s19+s1], $0x80, $0x38;
	[tilespmem:$0x18400] =	vst v63  }
0xc6: {  	s23 =	sand.u32 $0x1FFFFFF0, s21;
	s24 =	spop (v2sf);
	s22 =	sadd.s32 s3, s20  }
0xc7: {  	[tilespmem:s15], [sflag:$0x1] =	stream.linear.gather [hbm4b:s22+s1], $0x80, $0x38;
	[tilespmem:$0x18400] =	vst v63  }
0xc8: {  	s25 =	sadd.s32 $0x8B00, s13;
	s2 =	sadd.s32 s3, s23;
	s4 =	sand.u32 $0x1FFFFFF0, s24  }
0xc9: {  	[tilespmem:s25], [sflag:$0x1] =	stream.linear.gather [hbm4b:s2+s1], $0x80, $0x38;
	[tilespmem:$0x18400] =	vst v63  }
0xca: {  	s26 =	sadd.s32 $0x8B80, s13;
	s29 =	simm.s32 $0x1;
	s28 =	sadd.s32 s3, s4  }
0xcb: {  	[tilespmem:s26], [sflag:$0x1] =	stream.linear.gather [hbm4b:s28+s1], $0x80, $0x38;
	[tilespmem:$0x18400] =	vst v63  }
0xcc: {  	_ =	swait.ge [sflag:s29], $0x10000  }
0xcd: {  	s30 =	sshll.u32 s12, $0xD;
	[sflag:s29] =	ssyncset.done $0x0  }
0xce: {  	s31 =	sadd.s32 s30, s5;
	[sflag:s29] =	ssyncadd.s32 $0xFFFF0000  }
0xcf: {  	[hbm4b:s31+s1] =	stream.linear.scatter [tilespmem:s9], [sflag:$0x2], $0x10000, $0x38;
	[tilespmem:$0x18400] =	vst v63  }
.Ltmp6:
0xd0: {  	_ = 	snop;
	(pc) =	sbr.rel @p2 .LBB2_4-.Ltmp6, $4  }
.Ltmp7:
0xd1: {  	_ = 	snop;
	(pc) =	sbr.rel @!p2 .LBB2_9-.Ltmp7, $4  }
0xd2: {  	_ =	swait.ge [sflag:s8], $0x10000  }
0xd3: {  	[sflag:s8] =	ssyncset.done $0x0  }
0xd4: {  	s12 =	simm.s32 $0x1;
	[sflag:s8] =	ssyncadd.s32 $0xFFFF0000  }
0xd5: {  	_ = 	snop  }
.LBB2_5:
.Ltmp8:
0xd6: {  	(pc) =	sbr.rel .LBB2_8-.Ltmp8, $2  }
0xd7: {  	_ =	sdelay $0x2  }
0xd8: {  	s14 =	simm.s32 $0x0;
	s13 =	simm.s32 $0x0;
	p3 =	por $0x0, $0x0  }
.LBB2_10:
0xd9: {  	_ =	sfence.sel $0x180000  }
0xda: {  	[bflag:$0x0] =	sbarrier.arrive $0xFFFF  }
0xdb: {  	_ =	strace $0x90000047  }
0xdc: {  	s0 =	stileid.u32;
	[bflag:$0x2] =	sbarrier.arrive $0xFFFF  }
0xdd: {  	p0 =	sne.s32 s0, $0x0;
	s0 =	rddreg [dreg:$0x1]  }
0xde: {  	s0 =	sadd.s32 @!p0 $0x100000, s0  }
0xdf: {  	[sflag:s0] =	ssyncadd.tile.s32 @!p0 $0x1;
	_ =	shalt  }
.Lfunc_end2:
_tile_overlayer_lowered:
.L_overlay_start_2:
0xe0: {  	(tag) =	ssettag $0x2  }
0xe1: {  	s0 =	rddreg [dreg:$0x0];
	s2 =	stileid.u32  }
0xe2: {  	s1 =	rddreg [dreg:$0x1];
	p0 =	sne.s32 s2, $0x0  }
0xe3: {  	s3 =	rddreg [dreg:$0x2];
	[bflag:$0x3] =	sbarrier.arrive $0xFFFF;
	s2 =	simm.s32 @!p0 $0x1C02  }
0xe4: {  	[timem:s3], [sflag:s2] =	dma.local @!p0 [hbm:s0], s1  }
0xe5: {  	s0 =	simm.s32 @!p0 $0x2  }
0xe6: {  	_ =	swait.ge @!p0 [sflag:s0], s1  }
0xe7: {  	s1 =	ssub.s32 @!p0 $0x0, s1;
	[sflag:s0] =	ssyncset.done @!p0 $0x0  }
0xe8: {  	[sflag:s0] =	ssyncadd.s32 @!p0 s1  }
0xe9: {  	[bflag:$0x3] =	sbarrier.arrive $0xFFFF  }
0xea: {  	_ =	shalt  }

</sc_bundles>
